<compile_context>
chip_gen: v7x
topology: tpu7x:2x2x1
jax: 0.10.2.dev20260603
libtpu: 0.0.44.dev20260713+nightly
codegen_flags: <defaults>
</compile_context>

<pallas_src>
import functools

import jax
import jax.numpy as jnp
from jax import lax
from jax.experimental import pallas as pl
from jax.experimental.pallas import tpu as pltpu
from jax.experimental.pallas import tpu_sc as plsc

_NC = 2
_NS = 16
_CH = 80


def _sc_scatter(src, dst, feats, zer, n_pad):
    E, D = feats.shape
    nw = _NC * _NS
    epw = E // nw
    nch = epw // _CH
    rpt = n_pad // _NS
    rch = rpt // _CH
    mesh = plsc.VectorSubcoreMesh(core_axis_name="c", subcore_axis_name="s")
    assert nch % 2 == 1 and nch >= 3

    scratch_types = [
        pltpu.VMEM((_CH, D), jnp.float32),
        pltpu.VMEM((_CH, D), jnp.float32),
        pltpu.VMEM((_CH,), jnp.int32),
        pltpu.VMEM((_CH,), jnp.int32),
        pltpu.VMEM((_CH,), jnp.int32),
        pltpu.VMEM((_CH,), jnp.int32),
        pltpu.VMEM_SHARED((n_pad, D), jnp.float32),
        pltpu.SemaphoreType.DMA,
        pltpu.SemaphoreType.DMA,
    ]

    @functools.partial(
        pl.kernel,
        mesh=mesh,
        out_type=jax.ShapeDtypeStruct((_NC * n_pad, D), jnp.float32),
        scratch_types=scratch_types,
    )
    def body(src_h, dst_h, feats_h, zer_h, out_h,
             rows_a, rows_b, si_a, si_b, di_a, di_b, g0_sh, sem_a, sem_b):
        cid = lax.axis_index("c")
        sid = lax.axis_index("s")
        wid = cid * _NS + sid
        row0 = sid * rpt

        def start(i, rows_v, si_v, di_v, sem):
            base = pl.multiple_of(wid * epw + i * _CH, 8)
            pltpu.async_copy(src_h.at[pl.ds(base, _CH)], si_v, sem)
            pltpu.async_copy(dst_h.at[pl.ds(base, _CH)], di_v, sem)
            pltpu.async_copy(feats_h.at[pl.ds(base, _CH)], rows_v, sem)

        def wait(rows_v, si_v, di_v, sem):
            pltpu.make_async_copy(src_h.at[pl.ds(0, _CH)], si_v, sem).wait()
            pltpu.make_async_copy(dst_h.at[pl.ds(0, _CH)], di_v, sem).wait()
            pltpu.make_async_copy(feats_h.at[pl.ds(0, _CH)], rows_v,
                                  sem).wait()

        def scatter(rows_v, si_v, di_v):
            pltpu.sync_copy(rows_v, g0_sh.at[si_v], add=True)
            pltpu.sync_copy(rows_v, g0_sh.at[di_v], add=True)

        pltpu.sync_copy(zer_h, rows_a)
        for k in range(rch):
            pltpu.sync_copy(rows_a, g0_sh.at[pl.ds(row0 + k * _CH, _CH)])
        plsc.subcore_barrier()

        start(0, rows_a, si_a, di_a, sem_a)

        @pl.loop(0, nch // 2)
        def step(p):
            e = 2 * p
            wait(rows_a, si_a, di_a, sem_a)
            start(e + 1, rows_b, si_b, di_b, sem_b)
            scatter(rows_a, si_a, di_a)
            wait(rows_b, si_b, di_b, sem_b)
            start(e + 2, rows_a, si_a, di_a, sem_a)
            scatter(rows_b, si_b, di_b)

        wait(rows_a, si_a, di_a, sem_a)
        scatter(rows_a, si_a, di_a)

        plsc.subcore_barrier()

        out0 = cid * n_pad + row0
        for k in range(rch):
            pltpu.sync_copy(g0_sh.at[pl.ds(row0 + k * _CH, _CH)], rows_a)
            pltpu.sync_copy(rows_a, out_h.at[pl.ds(out0 + k * _CH, _CH)])

    return body(src, dst, feats, zer)


def _tc_epilogue(en_pad, g0_parts, cnt2d, W0, b0_2d):
    B = en_pad.shape[0]
    K = W0.shape[1]

    def body(en_ref, g_ref, c_ref, w_ref, b_ref, out_ref):
        hi = jax.lax.Precision.HIGHEST
        en = en_ref[...]
        g = g_ref[0] + g_ref[1]
        t = jax.lax.dot(en, g, precision=hi,
                        preferred_element_type=jnp.float32)
        rs = jnp.sum(en * c_ref[...], axis=1, keepdims=True)
        inv = 1.0 / rs
        inv = jnp.where(jnp.isinf(inv), 0.0, inv)
        h = jax.lax.dot(t, w_ref[...], precision=hi,
                        preferred_element_type=jnp.float32)
        out_ref[...] = (h + rs * b_ref[...]) * inv

    return pl.pallas_call(
        body,
        out_shape=jax.ShapeDtypeStruct((B, K), jnp.float32),
    )(en_pad, g0_parts, cnt2d, W0, b0_2d)


def kernel(edge_nodes, edge_feats, edge_index, W0, b0):
    B, N = edge_nodes.shape
    E, D = edge_feats.shape
    K = W0.shape[1]
    step = _NS * _CH
    n_pad = ((N + step - 1) // step) * step

    src = edge_index[0]
    dst = edge_index[1]
    zer = jnp.zeros((_CH, D), jnp.float32)

    g0_flat = _sc_scatter(src, dst, edge_feats, zer, n_pad)
    g0_parts = g0_flat.reshape(_NC, n_pad, D)
    ids = jnp.concatenate([src, dst])
    cnt = jnp.zeros((n_pad,), jnp.int32).at[ids].add(1).astype(jnp.float32)
    en_pad = jnp.pad(edge_nodes, ((0, 0), (0, n_pad - N)))

    return _tc_epilogue(en_pad, g0_parts, cnt[None, :], W0, b0.reshape(1, K))

# --- scband reference (transcript-rebuilt; emitter-appended) ---
"""Pipeline reference for scband-deep-edge-convolution-72301479461283 (READ-ONLY COPY).

The authoritative reference and input builder live on the scoring server;
editing this copy changes nothing except your own understanding.
"""

import jax, jax.numpy as jnp
import numpy as np

N = 10000
E = 320000
B = 64
D = 128
K = 128


def setup_inputs(seed: int = 0) -> dict:
    key = jax.random.key(seed)
    k0, k1, k2, k3 = jax.random.split(key, 4)
    edge_nodes = jax.random.uniform(k0, (B, N), dtype=jnp.float32)
    edge_feats = jax.random.normal(k1, (E, D), dtype=jnp.float32)
    edge_index = jax.random.randint(k2, (2, E), 0, N, dtype=jnp.int32)
    # single Linear layer (num_layers=1): weight stored as [in, out]
    W0 = jax.random.normal(k3, (D, K), dtype=jnp.float32) * (1.0 / np.sqrt(D))
    b0 = jnp.zeros((K,), dtype=jnp.float32)
    return {
        "edge_nodes": edge_nodes,
        "edge_feats": edge_feats,
        "edge_index": edge_index,
        "W0": W0,
        "b0": b0,
    }


def reference(edge_nodes, edge_feats, edge_index, W0, b0):
    # inc_matrix is the sparse [N, E] incidence matrix with a 1 at (src_e, e)
    # and (dst_e, e). The sparse matmul
    #   batch_edge_idcs = (inc^T @ edge_nodes^T)^T  -> [B, E]
    # is exactly a gather-and-sum over the two incident nodes of each edge.
    src = edge_index[0]
    dst = edge_index[1]
    bei = jnp.take(edge_nodes, src, axis=1) + jnp.take(edge_nodes, dst, axis=1)  # [B, E]
    row_sum = jnp.sum(bei, axis=1)  # [B]
    inv = 1.0 / row_sum
    inv = jnp.where(jnp.isinf(inv), 0.0, inv)
    bei = bei * inv[:, None]
    # num_layers = 1: single Linear, no ReLU / BatchNorm (only applied between layers)
    h_edges = edge_feats @ W0 + b0  # [E, K]
    # torch.spmm(batch_edge_idcs, h_edges)
    h = bei @ h_edges  # [B, K]
    return h

if __name__ == "__main__":
    import jax
    _d = setup_inputs()
    print(jax.jit(kernel)(*tuple(_d.values())))

</pallas_src>

<mosaic_0001>
#map = affine_map<(d0, d1) -> (0)>
#map1 = affine_map<(d0, d1) -> (0, 0)>
module attributes {stable_mosaic.version = 14 : i64} {
  func.func @body(%arg0: i32, %arg1: i32, %arg2: memref<320000xi32, #tpu.memory_space<hbm>>, %arg3: memref<320000xi32, #tpu.memory_space<hbm>>, %arg4: memref<320000x128xf32, #tpu.memory_space<hbm>>, %arg5: memref<80x128xf32, #tpu.memory_space<hbm>>, %arg6: memref<20480x128xf32, #tpu.memory_space<hbm>>, %arg7: memref<80x128xf32, #tpu.memory_space<vmem>>, %arg8: memref<80x128xf32, #tpu.memory_space<vmem>>, %arg9: memref<80xi32, #tpu.memory_space<vmem>>, %arg10: memref<80xi32, #tpu.memory_space<vmem>>, %arg11: memref<80xi32, #tpu.memory_space<vmem>>, %arg12: memref<80xi32, #tpu.memory_space<vmem>>, %arg13: memref<10240x128xf32, #tpu.memory_space<vmem_shared>>, %arg14: memref<!tpu.dma_semaphore, #tpu.memory_space<semaphore_mem>>, %arg15: memref<!tpu.dma_semaphore, #tpu.memory_space<semaphore_mem>>) attributes {dimension_semantics = [#tpu.dimension_semantics<core_parallel>, #tpu.dimension_semantics<subcore_parallel>], iteration_bounds = array<i64: 2, 16>, scalar_prefetch = 0 : i64, scratch_operands = 9 : i64, tpu.core_type = #tpu.core_type<sc_vector_subcore>, window_params = [{transform_indices = #map}, {transform_indices = #map}, {transform_indices = #map1}, {transform_indices = #map1}, {transform_indices = #map1}]} {
    %mul3A = arith.constant 16 : i32
    %mul3A_0 = arith.muli %arg0, %mul3A : i32
    %add3A = arith.addi %mul3A_0, %arg1 : i32
    %mul3A_1 = arith.constant 640 : i32
    %mul3A_2 = arith.muli %arg1, %mul3A_1 : i32
    "tpu.region"() ({
      %run_scoped3A = tpu.sem_alloc : memref<!tpu.dma_semaphore, #tpu.memory_space<semaphore_mem>>
      tpu.enqueue_dma source(%arg5 : memref<80x128xf32, #tpu.memory_space<hbm>>) target(%arg7 : memref<80x128xf32, #tpu.memory_space<vmem>>) target_semaphore(%run_scoped3A : memref<!tpu.dma_semaphore, #tpu.memory_space<semaphore_mem>>)
      tpu.wait_dma2 semaphore(%run_scoped3A : memref<!tpu.dma_semaphore, #tpu.memory_space<semaphore_mem>>) src(%arg5 : memref<80x128xf32, #tpu.memory_space<hbm>>) dst(%arg7 : memref<80x128xf32, #tpu.memory_space<vmem>>)
      tpu.yield
    }) : () -> ()
    %add3A_3 = arith.constant 0 : i32
    %add3A_4 = arith.addi %mul3A_2, %add3A_3 : i32
    "tpu.region"() ({
      %run_scoped3A = tpu.sem_alloc : memref<!tpu.dma_semaphore, #tpu.memory_space<semaphore_mem>>
      %dma_start3A_83 = arith.constant 0 : i32
      %dma_start3A_84 = tpu.memref_slice %arg13[%add3A_4, %dma_start3A_83] : memref<10240x128xf32, #tpu.memory_space<vmem_shared>> -> memref<80x128xf32, #tpu.memory_space<vmem_shared>>
      %dma_start3A_85 = arith.constant 0 : i32
      %dma_start3A_86 = tpu.memref_slice %arg13[%add3A_4, %dma_start3A_85] : memref<10240x128xf32, #tpu.memory_space<vmem_shared>> -> memref<80x128xf32, #tpu.memory_space<vmem_shared>>
      tpu.enqueue_dma source(%arg7 : memref<80x128xf32, #tpu.memory_space<vmem>>) target(%dma_start3A_86 : memref<80x128xf32, #tpu.memory_space<vmem_shared>>) target_semaphore(%run_scoped3A : memref<!tpu.dma_semaphore, #tpu.memory_space<semaphore_mem>>)
      %dma_wait3A_87 = arith.constant 0 : i32
      %dma_wait3A_88 = tpu.memref_slice %arg13[%add3A_4, %dma_wait3A_87] : memref<10240x128xf32, #tpu.memory_space<vmem_shared>> -> memref<80x128xf32, #tpu.memory_space<vmem_shared>>
      %dma_wait3A_89 = arith.constant 0 : i32
      %dma_wait3A_90 = tpu.memref_slice %arg13[%add3A_4, %dma_wait3A_89] : memref<10240x128xf32, #tpu.memory_space<vmem_shared>> -> memref<80x128xf32, #tpu.memory_space<vmem_shared>>
      tpu.wait_dma2 semaphore(%run_scoped3A : memref<!tpu.dma_semaphore, #tpu.memory_space<semaphore_mem>>) src(%arg7 : memref<80x128xf32, #tpu.memory_space<vmem>>) dst(%dma_wait3A_90 : memref<80x128xf32, #tpu.memory_space<vmem_shared>>)
      tpu.yield
    }) : () -> ()
    %add3A_5 = arith.constant 80 : i32
    %add3A_6 = arith.addi %mul3A_2, %add3A_5 : i32
    "tpu.region"() ({
      %run_scoped3A = tpu.sem_alloc : memref<!tpu.dma_semaphore, #tpu.memory_space<semaphore_mem>>
      %dma_start3A_83 = arith.constant 0 : i32
      %dma_start3A_84 = tpu.memref_slice %arg13[%add3A_6, %dma_start3A_83] : memref<10240x128xf32, #tpu.memory_space<vmem_shared>> -> memref<80x128xf32, #tpu.memory_space<vmem_shared>>
      %dma_start3A_85 = arith.constant 0 : i32
      %dma_start3A_86 = tpu.memref_slice %arg13[%add3A_6, %dma_start3A_85] : memref<10240x128xf32, #tpu.memory_space<vmem_shared>> -> memref<80x128xf32, #tpu.memory_space<vmem_shared>>
      tpu.enqueue_dma source(%arg7 : memref<80x128xf32, #tpu.memory_space<vmem>>) target(%dma_start3A_86 : memref<80x128xf32, #tpu.memory_space<vmem_shared>>) target_semaphore(%run_scoped3A : memref<!tpu.dma_semaphore, #tpu.memory_space<semaphore_mem>>)
      %dma_wait3A_87 = arith.constant 0 : i32
      %dma_wait3A_88 = tpu.memref_slice %arg13[%add3A_6, %dma_wait3A_87] : memref<10240x128xf32, #tpu.memory_space<vmem_shared>> -> memref<80x128xf32, #tpu.memory_space<vmem_shared>>
      %dma_wait3A_89 = arith.constant 0 : i32
      %dma_wait3A_90 = tpu.memref_slice %arg13[%add3A_6, %dma_wait3A_89] : memref<10240x128xf32, #tpu.memory_space<vmem_shared>> -> memref<80x128xf32, #tpu.memory_space<vmem_shared>>
      tpu.wait_dma2 semaphore(%run_scoped3A : memref<!tpu.dma_semaphore, #tpu.memory_space<semaphore_mem>>) src(%arg7 : memref<80x128xf32, #tpu.memory_space<vmem>>) dst(%dma_wait3A_90 : memref<80x128xf32, #tpu.memory_space<vmem_shared>>)
      tpu.yield
    }) : () -> ()
    %add3A_7 = arith.constant 160 : i32
    %add3A_8 = arith.addi %mul3A_2, %add3A_7 : i32
    "tpu.region"() ({
      %run_scoped3A = tpu.sem_alloc : memref<!tpu.dma_semaphore, #tpu.memory_space<semaphore_mem>>
      %dma_start3A_83 = arith.constant 0 : i32
      %dma_start3A_84 = tpu.memref_slice %arg13[%add3A_8, %dma_start3A_83] : memref<10240x128xf32, #tpu.memory_space<vmem_shared>> -> memref<80x128xf32, #tpu.memory_space<vmem_shared>>
      %dma_start3A_85 = arith.constant 0 : i32
      %dma_start3A_86 = tpu.memref_slice %arg13[%add3A_8, %dma_start3A_85] : memref<10240x128xf32, #tpu.memory_space<vmem_shared>> -> memref<80x128xf32, #tpu.memory_space<vmem_shared>>
      tpu.enqueue_dma source(%arg7 : memref<80x128xf32, #tpu.memory_space<vmem>>) target(%dma_start3A_86 : memref<80x128xf32, #tpu.memory_space<vmem_shared>>) target_semaphore(%run_scoped3A : memref<!tpu.dma_semaphore, #tpu.memory_space<semaphore_mem>>)
      %dma_wait3A_87 = arith.constant 0 : i32
      %dma_wait3A_88 = tpu.memref_slice %arg13[%add3A_8, %dma_wait3A_87] : memref<10240x128xf32, #tpu.memory_space<vmem_shared>> -> memref<80x128xf32, #tpu.memory_space<vmem_shared>>
      %dma_wait3A_89 = arith.constant 0 : i32
      %dma_wait3A_90 = tpu.memref_slice %arg13[%add3A_8, %dma_wait3A_89] : memref<10240x128xf32, #tpu.memory_space<vmem_shared>> -> memref<80x128xf32, #tpu.memory_space<vmem_shared>>
      tpu.wait_dma2 semaphore(%run_scoped3A : memref<!tpu.dma_semaphore, #tpu.memory_space<semaphore_mem>>) src(%arg7 : memref<80x128xf32, #tpu.memory_space<vmem>>) dst(%dma_wait3A_90 : memref<80x128xf32, #tpu.memory_space<vmem_shared>>)
      tpu.yield
    }) : () -> ()
    %add3A_9 = arith.constant 240 : i32
    %add3A_10 = arith.addi %mul3A_2, %add3A_9 : i32
    "tpu.region"() ({
      %run_scoped3A = tpu.sem_alloc : memref<!tpu.dma_semaphore, #tpu.memory_space<semaphore_mem>>
      %dma_start3A_83 = arith.constant 0 : i32
      %dma_start3A_84 = tpu.memref_slice %arg13[%add3A_10, %dma_start3A_83] : memref<10240x128xf32, #tpu.memory_space<vmem_shared>> -> memref<80x128xf32, #tpu.memory_space<vmem_shared>>
      %dma_start3A_85 = arith.constant 0 : i32
      %dma_start3A_86 = tpu.memref_slice %arg13[%add3A_10, %dma_start3A_85] : memref<10240x128xf32, #tpu.memory_space<vmem_shared>> -> memref<80x128xf32, #tpu.memory_space<vmem_shared>>
      tpu.enqueue_dma source(%arg7 : memref<80x128xf32, #tpu.memory_space<vmem>>) target(%dma_start3A_86 : memref<80x128xf32, #tpu.memory_space<vmem_shared>>) target_semaphore(%run_scoped3A : memref<!tpu.dma_semaphore, #tpu.memory_space<semaphore_mem>>)
      %dma_wait3A_87 = arith.constant 0 : i32
      %dma_wait3A_88 = tpu.memref_slice %arg13[%add3A_10, %dma_wait3A_87] : memref<10240x128xf32, #tpu.memory_space<vmem_shared>> -> memref<80x128xf32, #tpu.memory_space<vmem_shared>>
      %dma_wait3A_89 = arith.constant 0 : i32
      %dma_wait3A_90 = tpu.memref_slice %arg13[%add3A_10, %dma_wait3A_89] : memref<10240x128xf32, #tpu.memory_space<vmem_shared>> -> memref<80x128xf32, #tpu.memory_space<vmem_shared>>
      tpu.wait_dma2 semaphore(%run_scoped3A : memref<!tpu.dma_semaphore, #tpu.memory_space<semaphore_mem>>) src(%arg7 : memref<80x128xf32, #tpu.memory_space<vmem>>) dst(%dma_wait3A_90 : memref<80x128xf32, #tpu.memory_space<vmem_shared>>)
      tpu.yield
    }) : () -> ()
    %add3A_11 = arith.constant 320 : i32
    %add3A_12 = arith.addi %mul3A_2, %add3A_11 : i32
    "tpu.region"() ({
      %run_scoped3A = tpu.sem_alloc : memref<!tpu.dma_semaphore, #tpu.memory_space<semaphore_mem>>
      %dma_start3A_83 = arith.constant 0 : i32
      %dma_start3A_84 = tpu.memref_slice %arg13[%add3A_12, %dma_start3A_83] : memref<10240x128xf32, #tpu.memory_space<vmem_shared>> -> memref<80x128xf32, #tpu.memory_space<vmem_shared>>
      %dma_start3A_85 = arith.constant 0 : i32
      %dma_start3A_86 = tpu.memref_slice %arg13[%add3A_12, %dma_start3A_85] : memref<10240x128xf32, #tpu.memory_space<vmem_shared>> -> memref<80x128xf32, #tpu.memory_space<vmem_shared>>
      tpu.enqueue_dma source(%arg7 : memref<80x128xf32, #tpu.memory_space<vmem>>) target(%dma_start3A_86 : memref<80x128xf32, #tpu.memory_space<vmem_shared>>) target_semaphore(%run_scoped3A : memref<!tpu.dma_semaphore, #tpu.memory_space<semaphore_mem>>)
      %dma_wait3A_87 = arith.constant 0 : i32
      %dma_wait3A_88 = tpu.memref_slice %arg13[%add3A_12, %dma_wait3A_87] : memref<10240x128xf32, #tpu.memory_space<vmem_shared>> -> memref<80x128xf32, #tpu.memory_space<vmem_shared>>
      %dma_wait3A_89 = arith.constant 0 : i32
      %dma_wait3A_90 = tpu.memref_slice %arg13[%add3A_12, %dma_wait3A_89] : memref<10240x128xf32, #tpu.memory_space<vmem_shared>> -> memref<80x128xf32, #tpu.memory_space<vmem_shared>>
      tpu.wait_dma2 semaphore(%run_scoped3A : memref<!tpu.dma_semaphore, #tpu.memory_space<semaphore_mem>>) src(%arg7 : memref<80x128xf32, #tpu.memory_space<vmem>>) dst(%dma_wait3A_90 : memref<80x128xf32, #tpu.memory_space<vmem_shared>>)
      tpu.yield
    }) : () -> ()
    %add3A_13 = arith.constant 400 : i32
    %add3A_14 = arith.addi %mul3A_2, %add3A_13 : i32
    "tpu.region"() ({
      %run_scoped3A = tpu.sem_alloc : memref<!tpu.dma_semaphore, #tpu.memory_space<semaphore_mem>>
      %dma_start3A_83 = arith.constant 0 : i32
      %dma_start3A_84 = tpu.memref_slice %arg13[%add3A_14, %dma_start3A_83] : memref<10240x128xf32, #tpu.memory_space<vmem_shared>> -> memref<80x128xf32, #tpu.memory_space<vmem_shared>>
      %dma_start3A_85 = arith.constant 0 : i32
      %dma_start3A_86 = tpu.memref_slice %arg13[%add3A_14, %dma_start3A_85] : memref<10240x128xf32, #tpu.memory_space<vmem_shared>> -> memref<80x128xf32, #tpu.memory_space<vmem_shared>>
      tpu.enqueue_dma source(%arg7 : memref<80x128xf32, #tpu.memory_space<vmem>>) target(%dma_start3A_86 : memref<80x128xf32, #tpu.memory_space<vmem_shared>>) target_semaphore(%run_scoped3A : memref<!tpu.dma_semaphore, #tpu.memory_space<semaphore_mem>>)
      %dma_wait3A_87 = arith.constant 0 : i32
      %dma_wait3A_88 = tpu.memref_slice %arg13[%add3A_14, %dma_wait3A_87] : memref<10240x128xf32, #tpu.memory_space<vmem_shared>> -> memref<80x128xf32, #tpu.memory_space<vmem_shared>>
      %dma_wait3A_89 = arith.constant 0 : i32
      %dma_wait3A_90 = tpu.memref_slice %arg13[%add3A_14, %dma_wait3A_89] : memref<10240x128xf32, #tpu.memory_space<vmem_shared>> -> memref<80x128xf32, #tpu.memory_space<vmem_shared>>
      tpu.wait_dma2 semaphore(%run_scoped3A : memref<!tpu.dma_semaphore, #tpu.memory_space<semaphore_mem>>) src(%arg7 : memref<80x128xf32, #tpu.memory_space<vmem>>) dst(%dma_wait3A_90 : memref<80x128xf32, #tpu.memory_space<vmem_shared>>)
      tpu.yield
    }) : () -> ()
    %add3A_15 = arith.constant 480 : i32
    %add3A_16 = arith.addi %mul3A_2, %add3A_15 : i32
    "tpu.region"() ({
      %run_scoped3A = tpu.sem_alloc : memref<!tpu.dma_semaphore, #tpu.memory_space<semaphore_mem>>
      %dma_start3A_83 = arith.constant 0 : i32
      %dma_start3A_84 = tpu.memref_slice %arg13[%add3A_16, %dma_start3A_83] : memref<10240x128xf32, #tpu.memory_space<vmem_shared>> -> memref<80x128xf32, #tpu.memory_space<vmem_shared>>
      %dma_start3A_85 = arith.constant 0 : i32
      %dma_start3A_86 = tpu.memref_slice %arg13[%add3A_16, %dma_start3A_85] : memref<10240x128xf32, #tpu.memory_space<vmem_shared>> -> memref<80x128xf32, #tpu.memory_space<vmem_shared>>
      tpu.enqueue_dma source(%arg7 : memref<80x128xf32, #tpu.memory_space<vmem>>) target(%dma_start3A_86 : memref<80x128xf32, #tpu.memory_space<vmem_shared>>) target_semaphore(%run_scoped3A : memref<!tpu.dma_semaphore, #tpu.memory_space<semaphore_mem>>)
      %dma_wait3A_87 = arith.constant 0 : i32
      %dma_wait3A_88 = tpu.memref_slice %arg13[%add3A_16, %dma_wait3A_87] : memref<10240x128xf32, #tpu.memory_space<vmem_shared>> -> memref<80x128xf32, #tpu.memory_space<vmem_shared>>
      %dma_wait3A_89 = arith.constant 0 : i32
      %dma_wait3A_90 = tpu.memref_slice %arg13[%add3A_16, %dma_wait3A_89] : memref<10240x128xf32, #tpu.memory_space<vmem_shared>> -> memref<80x128xf32, #tpu.memory_space<vmem_shared>>
      tpu.wait_dma2 semaphore(%run_scoped3A : memref<!tpu.dma_semaphore, #tpu.memory_space<semaphore_mem>>) src(%arg7 : memref<80x128xf32, #tpu.memory_space<vmem>>) dst(%dma_wait3A_90 : memref<80x128xf32, #tpu.memory_space<vmem_shared>>)
      tpu.yield
    }) : () -> ()
    %add3A_17 = arith.constant 560 : i32
    %add3A_18 = arith.addi %mul3A_2, %add3A_17 : i32
    "tpu.region"() ({
      %run_scoped3A = tpu.sem_alloc : memref<!tpu.dma_semaphore, #tpu.memory_space<semaphore_mem>>
      %dma_start3A_83 = arith.constant 0 : i32
      %dma_start3A_84 = tpu.memref_slice %arg13[%add3A_18, %dma_start3A_83] : memref<10240x128xf32, #tpu.memory_space<vmem_shared>> -> memref<80x128xf32, #tpu.memory_space<vmem_shared>>
      %dma_start3A_85 = arith.constant 0 : i32
      %dma_start3A_86 = tpu.memref_slice %arg13[%add3A_18, %dma_start3A_85] : memref<10240x128xf32, #tpu.memory_space<vmem_shared>> -> memref<80x128xf32, #tpu.memory_space<vmem_shared>>
      tpu.enqueue_dma source(%arg7 : memref<80x128xf32, #tpu.memory_space<vmem>>) target(%dma_start3A_86 : memref<80x128xf32, #tpu.memory_space<vmem_shared>>) target_semaphore(%run_scoped3A : memref<!tpu.dma_semaphore, #tpu.memory_space<semaphore_mem>>)
      %dma_wait3A_87 = arith.constant 0 : i32
      %dma_wait3A_88 = tpu.memref_slice %arg13[%add3A_18, %dma_wait3A_87] : memref<10240x128xf32, #tpu.memory_space<vmem_shared>> -> memref<80x128xf32, #tpu.memory_space<vmem_shared>>
      %dma_wait3A_89 = arith.constant 0 : i32
      %dma_wait3A_90 = tpu.memref_slice %arg13[%add3A_18, %dma_wait3A_89] : memref<10240x128xf32, #tpu.memory_space<vmem_shared>> -> memref<80x128xf32, #tpu.memory_space<vmem_shared>>
      tpu.wait_dma2 semaphore(%run_scoped3A : memref<!tpu.dma_semaphore, #tpu.memory_space<semaphore_mem>>) src(%arg7 : memref<80x128xf32, #tpu.memory_space<vmem>>) dst(%dma_wait3A_90 : memref<80x128xf32, #tpu.memory_space<vmem_shared>>)
      tpu.yield
    }) : () -> ()
    %barrier3A = arith.constant 0 : index
    tpu.barrier barrier_id(%barrier3A)
    %mul3A_19 = arith.constant 10000 : i32
    %mul3A_20 = arith.muli %add3A, %mul3A_19 : i32
    %add3A_21 = arith.constant 0 : i32
    %add3A_22 = arith.addi %mul3A_20, %add3A_21 : i32
    %multiple_of3A = tpu.assume_multiple %add3A_22, 8 : i32
    %dma_start3A = tpu.memref_slice %arg2[%multiple_of3A] : memref<320000xi32, #tpu.memory_space<hbm>> -> memref<80xi32, #tpu.memory_space<hbm>>
    %dma_start3A_23 = tpu.memref_slice %arg2[%multiple_of3A] : memref<320000xi32, #tpu.memory_space<hbm>> -> memref<80xi32, #tpu.memory_space<hbm>>
    tpu.enqueue_dma source(%dma_start3A_23 : memref<80xi32, #tpu.memory_space<hbm>>) target(%arg9 : memref<80xi32, #tpu.memory_space<vmem>>) target_semaphore(%arg14 : memref<!tpu.dma_semaphore, #tpu.memory_space<semaphore_mem>>)
    %dma_start3A_24 = tpu.memref_slice %arg3[%multiple_of3A] : memref<320000xi32, #tpu.memory_space<hbm>> -> memref<80xi32, #tpu.memory_space<hbm>>
    %dma_start3A_25 = tpu.memref_slice %arg3[%multiple_of3A] : memref<320000xi32, #tpu.memory_space<hbm>> -> memref<80xi32, #tpu.memory_space<hbm>>
    tpu.enqueue_dma source(%dma_start3A_25 : memref<80xi32, #tpu.memory_space<hbm>>) target(%arg11 : memref<80xi32, #tpu.memory_space<vmem>>) target_semaphore(%arg14 : memref<!tpu.dma_semaphore, #tpu.memory_space<semaphore_mem>>)
    %dma_start3A_26 = arith.constant 0 : i32
    %dma_start3A_27 = tpu.memref_slice %arg4[%multiple_of3A, %dma_start3A_26] : memref<320000x128xf32, #tpu.memory_space<hbm>> -> memref<80x128xf32, #tpu.memory_space<hbm>>
    %dma_start3A_28 = arith.constant 0 : i32
    %dma_start3A_29 = tpu.memref_slice %arg4[%multiple_of3A, %dma_start3A_28] : memref<320000x128xf32, #tpu.memory_space<hbm>> -> memref<80x128xf32, #tpu.memory_space<hbm>>
    tpu.enqueue_dma source(%dma_start3A_29 : memref<80x128xf32, #tpu.memory_space<hbm>>) target(%arg7 : memref<80x128xf32, #tpu.memory_space<vmem>>) target_semaphore(%arg14 : memref<!tpu.dma_semaphore, #tpu.memory_space<semaphore_mem>>)
    %scan3A = arith.constant 0 : i32
    %scan3A_30 = arith.constant 62 : i32
    %scan3A_31 = arith.addi %scan3A, %scan3A_30 : i32
    %scan3A_32 = arith.constant 1 : i32
    scf.for %scan3A_83 = %scan3A to %scan3A_31 step %scan3A_32  : i32 {
      %mul3A_84 = arith.constant 1 : i32
      %mul3A_85 = arith.muli %scan3A_83, %mul3A_84 : i32
      %add3A_86 = arith.constant 0 : i32
      %add3A_87 = arith.addi %add3A_86, %mul3A_85 : i32
      %mul3A_88 = arith.constant 2 : i32
      %mul3A_89 = arith.muli %mul3A_88, %add3A_87 : i32
      %dma_wait3A_90 = arith.constant 0 : i32
      %dma_wait3A_91 = tpu.memref_slice %arg2[%dma_wait3A_90] : memref<320000xi32, #tpu.memory_space<hbm>> -> memref<80xi32, #tpu.memory_space<hbm>>
      %dma_wait3A_92 = arith.constant 0 : i32
      %dma_wait3A_93 = tpu.memref_slice %arg2[%dma_wait3A_92] : memref<320000xi32, #tpu.memory_space<hbm>> -> memref<80xi32, #tpu.memory_space<hbm>>
      tpu.wait_dma2 semaphore(%arg14 : memref<!tpu.dma_semaphore, #tpu.memory_space<semaphore_mem>>) src(%dma_wait3A_93 : memref<80xi32, #tpu.memory_space<hbm>>) dst(%arg9 : memref<80xi32, #tpu.memory_space<vmem>>)
      %dma_wait3A_94 = arith.constant 0 : i32
      %dma_wait3A_95 = tpu.memref_slice %arg3[%dma_wait3A_94] : memref<320000xi32, #tpu.memory_space<hbm>> -> memref<80xi32, #tpu.memory_space<hbm>>
      %dma_wait3A_96 = arith.constant 0 : i32
      %dma_wait3A_97 = tpu.memref_slice %arg3[%dma_wait3A_96] : memref<320000xi32, #tpu.memory_space<hbm>> -> memref<80xi32, #tpu.memory_space<hbm>>
      tpu.wait_dma2 semaphore(%arg14 : memref<!tpu.dma_semaphore, #tpu.memory_space<semaphore_mem>>) src(%dma_wait3A_97 : memref<80xi32, #tpu.memory_space<hbm>>) dst(%arg11 : memref<80xi32, #tpu.memory_space<vmem>>)
      %dma_wait3A_98 = arith.constant 0 : i32
      %dma_wait3A_99 = arith.constant 0 : i32
      %dma_wait3A_100 = tpu.memref_slice %arg4[%dma_wait3A_98, %dma_wait3A_99] : memref<320000x128xf32, #tpu.memory_space<hbm>> -> memref<80x128xf32, #tpu.memory_space<hbm>>
      %dma_wait3A_101 = arith.constant 0 : i32
      %dma_wait3A_102 = arith.constant 0 : i32
      %dma_wait3A_103 = tpu.memref_slice %arg4[%dma_wait3A_101, %dma_wait3A_102] : memref<320000x128xf32, #tpu.memory_space<hbm>> -> memref<80x128xf32, #tpu.memory_space<hbm>>
      tpu.wait_dma2 semaphore(%arg14 : memref<!tpu.dma_semaphore, #tpu.memory_space<semaphore_mem>>) src(%dma_wait3A_103 : memref<80x128xf32, #tpu.memory_space<hbm>>) dst(%arg7 : memref<80x128xf32, #tpu.memory_space<vmem>>)
      %add3A_104 = arith.constant 1 : i32
      %add3A_105 = arith.addi %mul3A_89, %add3A_104 : i32
      %mul3A_106 = arith.constant 10000 : i32
      %mul3A_107 = arith.muli %add3A, %mul3A_106 : i32
      %mul3A_108 = arith.constant 80 : i32
      %mul3A_109 = arith.muli %add3A_105, %mul3A_108 : i32
      %add3A_110 = arith.addi %mul3A_107, %mul3A_109 : i32
      %multiple_of3A_111 = tpu.assume_multiple %add3A_110, 8 : i32
      %dma_start3A_112 = tpu.memref_slice %arg2[%multiple_of3A_111] : memref<320000xi32, #tpu.memory_space<hbm>> -> memref<80xi32, #tpu.memory_space<hbm>>
      %dma_start3A_113 = tpu.memref_slice %arg2[%multiple_of3A_111] : memref<320000xi32, #tpu.memory_space<hbm>> -> memref<80xi32, #tpu.memory_space<hbm>>
      tpu.enqueue_dma source(%dma_start3A_113 : memref<80xi32, #tpu.memory_space<hbm>>) target(%arg10 : memref<80xi32, #tpu.memory_space<vmem>>) target_semaphore(%arg15 : memref<!tpu.dma_semaphore, #tpu.memory_space<semaphore_mem>>)
      %dma_start3A_114 = tpu.memref_slice %arg3[%multiple_of3A_111] : memref<320000xi32, #tpu.memory_space<hbm>> -> memref<80xi32, #tpu.memory_space<hbm>>
      %dma_start3A_115 = tpu.memref_slice %arg3[%multiple_of3A_111] : memref<320000xi32, #tpu.memory_space<hbm>> -> memref<80xi32, #tpu.memory_space<hbm>>
      tpu.enqueue_dma source(%dma_start3A_115 : memref<80xi32, #tpu.memory_space<hbm>>) target(%arg12 : memref<80xi32, #tpu.memory_space<vmem>>) target_semaphore(%arg15 : memref<!tpu.dma_semaphore, #tpu.memory_space<semaphore_mem>>)
      %dma_start3A_116 = arith.constant 0 : i32
      %dma_start3A_117 = tpu.memref_slice %arg4[%multiple_of3A_111, %dma_start3A_116] : memref<320000x128xf32, #tpu.memory_space<hbm>> -> memref<80x128xf32, #tpu.memory_space<hbm>>
      %dma_start3A_118 = arith.constant 0 : i32
      %dma_start3A_119 = tpu.memref_slice %arg4[%multiple_of3A_111, %dma_start3A_118] : memref<320000x128xf32, #tpu.memory_space<hbm>> -> memref<80x128xf32, #tpu.memory_space<hbm>>
      tpu.enqueue_dma source(%dma_start3A_119 : memref<80x128xf32, #tpu.memory_space<hbm>>) target(%arg8 : memref<80x128xf32, #tpu.memory_space<vmem>>) target_semaphore(%arg15 : memref<!tpu.dma_semaphore, #tpu.memory_space<semaphore_mem>>)
      "tpu.region"() ({
        %run_scoped3A = tpu.sem_alloc : memref<!tpu.dma_semaphore, #tpu.memory_space<semaphore_mem>>
        %dma_start3A_150 = arith.constant 0 : i32
        %dma_start3A_151 = arith.constant 0 : i32
        %dma_start3A_152 = tpu.memref_slice %arg13[%dma_start3A_150, %dma_start3A_151] : memref<10240x128xf32, #tpu.memory_space<vmem_shared>> -> memref<10240x128xf32, #tpu.memory_space<vmem_shared>>
        tpu.enqueue_indirect_dma source(%arg7 : memref<80x128xf32, #tpu.memory_space<vmem>>) target(%dma_start3A_152 : memref<10240x128xf32, #tpu.memory_space<vmem_shared>>) offsets(%arg9 : memref<80xi32, #tpu.memory_space<vmem>>) semaphore(%run_scoped3A : memref<!tpu.dma_semaphore, #tpu.memory_space<semaphore_mem>>) {add = true}
        %dma_wait3A_153 = arith.constant 0 : i32
        %dma_wait3A_154 = arith.constant 0 : i32
        %dma_wait3A_155 = tpu.memref_slice %arg13[%dma_wait3A_153, %dma_wait3A_154] : memref<10240x128xf32, #tpu.memory_space<vmem_shared>> -> memref<10240x128xf32, #tpu.memory_space<vmem_shared>>
        tpu.wait_indirect_dma semaphore(%run_scoped3A : memref<!tpu.dma_semaphore, #tpu.memory_space<semaphore_mem>>) src(%arg7 : memref<80x128xf32, #tpu.memory_space<vmem>>) dst(%dma_wait3A_155 : memref<10240x128xf32, #tpu.memory_space<vmem_shared>>)
        tpu.yield
      }) : () -> ()
      "tpu.region"() ({
        %run_scoped3A = tpu.sem_alloc : memref<!tpu.dma_semaphore, #tpu.memory_space<semaphore_mem>>
        %dma_start3A_150 = arith.constant 0 : i32
        %dma_start3A_151 = arith.constant 0 : i32
        %dma_start3A_152 = tpu.memref_slice %arg13[%dma_start3A_150, %dma_start3A_151] : memref<10240x128xf32, #tpu.memory_space<vmem_shared>> -> memref<10240x128xf32, #tpu.memory_space<vmem_shared>>
        tpu.enqueue_indirect_dma source(%arg7 : memref<80x128xf32, #tpu.memory_space<vmem>>) target(%dma_start3A_152 : memref<10240x128xf32, #tpu.memory_space<vmem_shared>>) offsets(%arg11 : memref<80xi32, #tpu.memory_space<vmem>>) semaphore(%run_scoped3A : memref<!tpu.dma_semaphore, #tpu.memory_space<semaphore_mem>>) {add = true}
        %dma_wait3A_153 = arith.constant 0 : i32
        %dma_wait3A_154 = arith.constant 0 : i32
        %dma_wait3A_155 = tpu.memref_slice %arg13[%dma_wait3A_153, %dma_wait3A_154] : memref<10240x128xf32, #tpu.memory_space<vmem_shared>> -> memref<10240x128xf32, #tpu.memory_space<vmem_shared>>
        tpu.wait_indirect_dma semaphore(%run_scoped3A : memref<!tpu.dma_semaphore, #tpu.memory_space<semaphore_mem>>) src(%arg7 : memref<80x128xf32, #tpu.memory_space<vmem>>) dst(%dma_wait3A_155 : memref<10240x128xf32, #tpu.memory_space<vmem_shared>>)
        tpu.yield
      }) : () -> ()
      %dma_wait3A_120 = arith.constant 0 : i32
      %dma_wait3A_121 = tpu.memref_slice %arg2[%dma_wait3A_120] : memref<320000xi32, #tpu.memory_space<hbm>> -> memref<80xi32, #tpu.memory_space<hbm>>
      %dma_wait3A_122 = arith.constant 0 : i32
      %dma_wait3A_123 = tpu.memref_slice %arg2[%dma_wait3A_122] : memref<320000xi32, #tpu.memory_space<hbm>> -> memref<80xi32, #tpu.memory_space<hbm>>
      tpu.wait_dma2 semaphore(%arg15 : memref<!tpu.dma_semaphore, #tpu.memory_space<semaphore_mem>>) src(%dma_wait3A_123 : memref<80xi32, #tpu.memory_space<hbm>>) dst(%arg10 : memref<80xi32, #tpu.memory_space<vmem>>)
      %dma_wait3A_124 = arith.constant 0 : i32
      %dma_wait3A_125 = tpu.memref_slice %arg3[%dma_wait3A_124] : memref<320000xi32, #tpu.memory_space<hbm>> -> memref<80xi32, #tpu.memory_space<hbm>>
      %dma_wait3A_126 = arith.constant 0 : i32
      %dma_wait3A_127 = tpu.memref_slice %arg3[%dma_wait3A_126] : memref<320000xi32, #tpu.memory_space<hbm>> -> memref<80xi32, #tpu.memory_space<hbm>>
      tpu.wait_dma2 semaphore(%arg15 : memref<!tpu.dma_semaphore, #tpu.memory_space<semaphore_mem>>) src(%dma_wait3A_127 : memref<80xi32, #tpu.memory_space<hbm>>) dst(%arg12 : memref<80xi32, #tpu.memory_space<vmem>>)
      %dma_wait3A_128 = arith.constant 0 : i32
      %dma_wait3A_129 = arith.constant 0 : i32
      %dma_wait3A_130 = tpu.memref_slice %arg4[%dma_wait3A_128, %dma_wait3A_129] : memref<320000x128xf32, #tpu.memory_space<hbm>> -> memref<80x128xf32, #tpu.memory_space<hbm>>
      %dma_wait3A_131 = arith.constant 0 : i32
      %dma_wait3A_132 = arith.constant 0 : i32
      %dma_wait3A_133 = tpu.memref_slice %arg4[%dma_wait3A_131, %dma_wait3A_132] : memref<320000x128xf32, #tpu.memory_space<hbm>> -> memref<80x128xf32, #tpu.memory_space<hbm>>
      tpu.wait_dma2 semaphore(%arg15 : memref<!tpu.dma_semaphore, #tpu.memory_space<semaphore_mem>>) src(%dma_wait3A_133 : memref<80x128xf32, #tpu.memory_space<hbm>>) dst(%arg8 : memref<80x128xf32, #tpu.memory_space<vmem>>)
      %add3A_134 = arith.constant 2 : i32
      %add3A_135 = arith.addi %mul3A_89, %add3A_134 : i32
      %mul3A_136 = arith.constant 10000 : i32
      %mul3A_137 = arith.muli %add3A, %mul3A_136 : i32
      %mul3A_138 = arith.constant 80 : i32
      %mul3A_139 = arith.muli %add3A_135, %mul3A_138 : i32
      %add3A_140 = arith.addi %mul3A_137, %mul3A_139 : i32
      %multiple_of3A_141 = tpu.assume_multiple %add3A_140, 8 : i32
      %dma_start3A_142 = tpu.memref_slice %arg2[%multiple_of3A_141] : memref<320000xi32, #tpu.memory_space<hbm>> -> memref<80xi32, #tpu.memory_space<hbm>>
      %dma_start3A_143 = tpu.memref_slice %arg2[%multiple_of3A_141] : memref<320000xi32, #tpu.memory_space<hbm>> -> memref<80xi32, #tpu.memory_space<hbm>>
      tpu.enqueue_dma source(%dma_start3A_143 : memref<80xi32, #tpu.memory_space<hbm>>) target(%arg9 : memref<80xi32, #tpu.memory_space<vmem>>) target_semaphore(%arg14 : memref<!tpu.dma_semaphore, #tpu.memory_space<semaphore_mem>>)
      %dma_start3A_144 = tpu.memref_slice %arg3[%multiple_of3A_141] : memref<320000xi32, #tpu.memory_space<hbm>> -> memref<80xi32, #tpu.memory_space<hbm>>
      %dma_start3A_145 = tpu.memref_slice %arg3[%multiple_of3A_141] : memref<320000xi32, #tpu.memory_space<hbm>> -> memref<80xi32, #tpu.memory_space<hbm>>
      tpu.enqueue_dma source(%dma_start3A_145 : memref<80xi32, #tpu.memory_space<hbm>>) target(%arg11 : memref<80xi32, #tpu.memory_space<vmem>>) target_semaphore(%arg14 : memref<!tpu.dma_semaphore, #tpu.memory_space<semaphore_mem>>)
      %dma_start3A_146 = arith.constant 0 : i32
      %dma_start3A_147 = tpu.memref_slice %arg4[%multiple_of3A_141, %dma_start3A_146] : memref<320000x128xf32, #tpu.memory_space<hbm>> -> memref<80x128xf32, #tpu.memory_space<hbm>>
      %dma_start3A_148 = arith.constant 0 : i32
      %dma_start3A_149 = tpu.memref_slice %arg4[%multiple_of3A_141, %dma_start3A_148] : memref<320000x128xf32, #tpu.memory_space<hbm>> -> memref<80x128xf32, #tpu.memory_space<hbm>>
      tpu.enqueue_dma source(%dma_start3A_149 : memref<80x128xf32, #tpu.memory_space<hbm>>) target(%arg7 : memref<80x128xf32, #tpu.memory_space<vmem>>) target_semaphore(%arg14 : memref<!tpu.dma_semaphore, #tpu.memory_space<semaphore_mem>>)
      "tpu.region"() ({
        %run_scoped3A = tpu.sem_alloc : memref<!tpu.dma_semaphore, #tpu.memory_space<semaphore_mem>>
        %dma_start3A_150 = arith.constant 0 : i32
        %dma_start3A_151 = arith.constant 0 : i32
        %dma_start3A_152 = tpu.memref_slice %arg13[%dma_start3A_150, %dma_start3A_151] : memref<10240x128xf32, #tpu.memory_space<vmem_shared>> -> memref<10240x128xf32, #tpu.memory_space<vmem_shared>>
        tpu.enqueue_indirect_dma source(%arg8 : memref<80x128xf32, #tpu.memory_space<vmem>>) target(%dma_start3A_152 : memref<10240x128xf32, #tpu.memory_space<vmem_shared>>) offsets(%arg10 : memref<80xi32, #tpu.memory_space<vmem>>) semaphore(%run_scoped3A : memref<!tpu.dma_semaphore, #tpu.memory_space<semaphore_mem>>) {add = true}
        %dma_wait3A_153 = arith.constant 0 : i32
        %dma_wait3A_154 = arith.constant 0 : i32
        %dma_wait3A_155 = tpu.memref_slice %arg13[%dma_wait3A_153, %dma_wait3A_154] : memref<10240x128xf32, #tpu.memory_space<vmem_shared>> -> memref<10240x128xf32, #tpu.memory_space<vmem_shared>>
        tpu.wait_indirect_dma semaphore(%run_scoped3A : memref<!tpu.dma_semaphore, #tpu.memory_space<semaphore_mem>>) src(%arg8 : memref<80x128xf32, #tpu.memory_space<vmem>>) dst(%dma_wait3A_155 : memref<10240x128xf32, #tpu.memory_space<vmem_shared>>)
        tpu.yield
      }) : () -> ()
      "tpu.region"() ({
        %run_scoped3A = tpu.sem_alloc : memref<!tpu.dma_semaphore, #tpu.memory_space<semaphore_mem>>
        %dma_start3A_150 = arith.constant 0 : i32
        %dma_start3A_151 = arith.constant 0 : i32
        %dma_start3A_152 = tpu.memref_slice %arg13[%dma_start3A_150, %dma_start3A_151] : memref<10240x128xf32, #tpu.memory_space<vmem_shared>> -> memref<10240x128xf32, #tpu.memory_space<vmem_shared>>
        tpu.enqueue_indirect_dma source(%arg8 : memref<80x128xf32, #tpu.memory_space<vmem>>) target(%dma_start3A_152 : memref<10240x128xf32, #tpu.memory_space<vmem_shared>>) offsets(%arg12 : memref<80xi32, #tpu.memory_space<vmem>>) semaphore(%run_scoped3A : memref<!tpu.dma_semaphore, #tpu.memory_space<semaphore_mem>>) {add = true}
        %dma_wait3A_153 = arith.constant 0 : i32
        %dma_wait3A_154 = arith.constant 0 : i32
        %dma_wait3A_155 = tpu.memref_slice %arg13[%dma_wait3A_153, %dma_wait3A_154] : memref<10240x128xf32, #tpu.memory_space<vmem_shared>> -> memref<10240x128xf32, #tpu.memory_space<vmem_shared>>
        tpu.wait_indirect_dma semaphore(%run_scoped3A : memref<!tpu.dma_semaphore, #tpu.memory_space<semaphore_mem>>) src(%arg8 : memref<80x128xf32, #tpu.memory_space<vmem>>) dst(%dma_wait3A_155 : memref<10240x128xf32, #tpu.memory_space<vmem_shared>>)
        tpu.yield
      }) : () -> ()
    }
    %scan3A_33 = arith.constant 62 : i32
    %dma_wait3A = arith.constant 0 : i32
    %dma_wait3A_34 = tpu.memref_slice %arg2[%dma_wait3A] : memref<320000xi32, #tpu.memory_space<hbm>> -> memref<80xi32, #tpu.memory_space<hbm>>
    %dma_wait3A_35 = arith.constant 0 : i32
    %dma_wait3A_36 = tpu.memref_slice %arg2[%dma_wait3A_35] : memref<320000xi32, #tpu.memory_space<hbm>> -> memref<80xi32, #tpu.memory_space<hbm>>
    tpu.wait_dma2 semaphore(%arg14 : memref<!tpu.dma_semaphore, #tpu.memory_space<semaphore_mem>>) src(%dma_wait3A_36 : memref<80xi32, #tpu.memory_space<hbm>>) dst(%arg9 : memref<80xi32, #tpu.memory_space<vmem>>)
    %dma_wait3A_37 = arith.constant 0 : i32
    %dma_wait3A_38 = tpu.memref_slice %arg3[%dma_wait3A_37] : memref<320000xi32, #tpu.memory_space<hbm>> -> memref<80xi32, #tpu.memory_space<hbm>>
    %dma_wait3A_39 = arith.constant 0 : i32
    %dma_wait3A_40 = tpu.memref_slice %arg3[%dma_wait3A_39] : memref<320000xi32, #tpu.memory_space<hbm>> -> memref<80xi32, #tpu.memory_space<hbm>>
    tpu.wait_dma2 semaphore(%arg14 : memref<!tpu.dma_semaphore, #tpu.memory_space<semaphore_mem>>) src(%dma_wait3A_40 : memref<80xi32, #tpu.memory_space<hbm>>) dst(%arg11 : memref<80xi32, #tpu.memory_space<vmem>>)
    %dma_wait3A_41 = arith.constant 0 : i32
    %dma_wait3A_42 = arith.constant 0 : i32
    %dma_wait3A_43 = tpu.memref_slice %arg4[%dma_wait3A_41, %dma_wait3A_42] : memref<320000x128xf32, #tpu.memory_space<hbm>> -> memref<80x128xf32, #tpu.memory_space<hbm>>
    %dma_wait3A_44 = arith.constant 0 : i32
    %dma_wait3A_45 = arith.constant 0 : i32
    %dma_wait3A_46 = tpu.memref_slice %arg4[%dma_wait3A_44, %dma_wait3A_45] : memref<320000x128xf32, #tpu.memory_space<hbm>> -> memref<80x128xf32, #tpu.memory_space<hbm>>
    tpu.wait_dma2 semaphore(%arg14 : memref<!tpu.dma_semaphore, #tpu.memory_space<semaphore_mem>>) src(%dma_wait3A_46 : memref<80x128xf32, #tpu.memory_space<hbm>>) dst(%arg7 : memref<80x128xf32, #tpu.memory_space<vmem>>)
    "tpu.region"() ({
      %run_scoped3A = tpu.sem_alloc : memref<!tpu.dma_semaphore, #tpu.memory_space<semaphore_mem>>
      %dma_start3A_83 = arith.constant 0 : i32
      %dma_start3A_84 = arith.constant 0 : i32
      %dma_start3A_85 = tpu.memref_slice %arg13[%dma_start3A_83, %dma_start3A_84] : memref<10240x128xf32, #tpu.memory_space<vmem_shared>> -> memref<10240x128xf32, #tpu.memory_space<vmem_shared>>
      tpu.enqueue_indirect_dma source(%arg7 : memref<80x128xf32, #tpu.memory_space<vmem>>) target(%dma_start3A_85 : memref<10240x128xf32, #tpu.memory_space<vmem_shared>>) offsets(%arg9 : memref<80xi32, #tpu.memory_space<vmem>>) semaphore(%run_scoped3A : memref<!tpu.dma_semaphore, #tpu.memory_space<semaphore_mem>>) {add = true}
      %dma_wait3A_86 = arith.constant 0 : i32
      %dma_wait3A_87 = arith.constant 0 : i32
      %dma_wait3A_88 = tpu.memref_slice %arg13[%dma_wait3A_86, %dma_wait3A_87] : memref<10240x128xf32, #tpu.memory_space<vmem_shared>> -> memref<10240x128xf32, #tpu.memory_space<vmem_shared>>
      tpu.wait_indirect_dma semaphore(%run_scoped3A : memref<!tpu.dma_semaphore, #tpu.memory_space<semaphore_mem>>) src(%arg7 : memref<80x128xf32, #tpu.memory_space<vmem>>) dst(%dma_wait3A_88 : memref<10240x128xf32, #tpu.memory_space<vmem_shared>>)
      tpu.yield
    }) : () -> ()
    "tpu.region"() ({
      %run_scoped3A = tpu.sem_alloc : memref<!tpu.dma_semaphore, #tpu.memory_space<semaphore_mem>>
      %dma_start3A_83 = arith.constant 0 : i32
      %dma_start3A_84 = arith.constant 0 : i32
      %dma_start3A_85 = tpu.memref_slice %arg13[%dma_start3A_83, %dma_start3A_84] : memref<10240x128xf32, #tpu.memory_space<vmem_shared>> -> memref<10240x128xf32, #tpu.memory_space<vmem_shared>>
      tpu.enqueue_indirect_dma source(%arg7 : memref<80x128xf32, #tpu.memory_space<vmem>>) target(%dma_start3A_85 : memref<10240x128xf32, #tpu.memory_space<vmem_shared>>) offsets(%arg11 : memref<80xi32, #tpu.memory_space<vmem>>) semaphore(%run_scoped3A : memref<!tpu.dma_semaphore, #tpu.memory_space<semaphore_mem>>) {add = true}
      %dma_wait3A_86 = arith.constant 0 : i32
      %dma_wait3A_87 = arith.constant 0 : i32
      %dma_wait3A_88 = tpu.memref_slice %arg13[%dma_wait3A_86, %dma_wait3A_87] : memref<10240x128xf32, #tpu.memory_space<vmem_shared>> -> memref<10240x128xf32, #tpu.memory_space<vmem_shared>>
      tpu.wait_indirect_dma semaphore(%run_scoped3A : memref<!tpu.dma_semaphore, #tpu.memory_space<semaphore_mem>>) src(%arg7 : memref<80x128xf32, #tpu.memory_space<vmem>>) dst(%dma_wait3A_88 : memref<10240x128xf32, #tpu.memory_space<vmem_shared>>)
      tpu.yield
    }) : () -> ()
    %barrier3A_47 = arith.constant 0 : index
    tpu.barrier barrier_id(%barrier3A_47)
    %mul3A_48 = arith.constant 10240 : i32
    %mul3A_49 = arith.muli %arg0, %mul3A_48 : i32
    %add3A_50 = arith.addi %mul3A_49, %mul3A_2 : i32
    %add3A_51 = arith.constant 0 : i32
    %add3A_52 = arith.addi %mul3A_2, %add3A_51 : i32
    "tpu.region"() ({
      %run_scoped3A = tpu.sem_alloc : memref<!tpu.dma_semaphore, #tpu.memory_space<semaphore_mem>>
      %dma_start3A_83 = arith.constant 0 : i32
      %dma_start3A_84 = tpu.memref_slice %arg13[%add3A_52, %dma_start3A_83] : memref<10240x128xf32, #tpu.memory_space<vmem_shared>> -> memref<80x128xf32, #tpu.memory_space<vmem_shared>>
      %dma_start3A_85 = arith.constant 0 : i32
      %dma_start3A_86 = tpu.memref_slice %arg13[%add3A_52, %dma_start3A_85] : memref<10240x128xf32, #tpu.memory_space<vmem_shared>> -> memref<80x128xf32, #tpu.memory_space<vmem_shared>>
      tpu.enqueue_dma source(%dma_start3A_86 : memref<80x128xf32, #tpu.memory_space<vmem_shared>>) target(%arg7 : memref<80x128xf32, #tpu.memory_space<vmem>>) target_semaphore(%run_scoped3A : memref<!tpu.dma_semaphore, #tpu.memory_space<semaphore_mem>>)
      %dma_wait3A_87 = arith.constant 0 : i32
      %dma_wait3A_88 = tpu.memref_slice %arg13[%add3A_52, %dma_wait3A_87] : memref<10240x128xf32, #tpu.memory_space<vmem_shared>> -> memref<80x128xf32, #tpu.memory_space<vmem_shared>>
      %dma_wait3A_89 = arith.constant 0 : i32
      %dma_wait3A_90 = tpu.memref_slice %arg13[%add3A_52, %dma_wait3A_89] : memref<10240x128xf32, #tpu.memory_space<vmem_shared>> -> memref<80x128xf32, #tpu.memory_space<vmem_shared>>
      tpu.wait_dma2 semaphore(%run_scoped3A : memref<!tpu.dma_semaphore, #tpu.memory_space<semaphore_mem>>) src(%dma_wait3A_90 : memref<80x128xf32, #tpu.memory_space<vmem_shared>>) dst(%arg7 : memref<80x128xf32, #tpu.memory_space<vmem>>)
      tpu.yield
    }) : () -> ()
    %add3A_53 = arith.constant 0 : i32
    %add3A_54 = arith.addi %add3A_50, %add3A_53 : i32
    "tpu.region"() ({
      %run_scoped3A = tpu.sem_alloc : memref<!tpu.dma_semaphore, #tpu.memory_space<semaphore_mem>>
      %dma_start3A_83 = arith.constant 0 : i32
      %dma_start3A_84 = tpu.memref_slice %arg6[%add3A_54, %dma_start3A_83] : memref<20480x128xf32, #tpu.memory_space<hbm>> -> memref<80x128xf32, #tpu.memory_space<hbm>>
      %dma_start3A_85 = arith.constant 0 : i32
      %dma_start3A_86 = tpu.memref_slice %arg6[%add3A_54, %dma_start3A_85] : memref<20480x128xf32, #tpu.memory_space<hbm>> -> memref<80x128xf32, #tpu.memory_space<hbm>>
      tpu.enqueue_dma source(%arg7 : memref<80x128xf32, #tpu.memory_space<vmem>>) target(%dma_start3A_86 : memref<80x128xf32, #tpu.memory_space<hbm>>) target_semaphore(%run_scoped3A : memref<!tpu.dma_semaphore, #tpu.memory_space<semaphore_mem>>)
      %dma_wait3A_87 = arith.constant 0 : i32
      %dma_wait3A_88 = tpu.memref_slice %arg6[%add3A_54, %dma_wait3A_87] : memref<20480x128xf32, #tpu.memory_space<hbm>> -> memref<80x128xf32, #tpu.memory_space<hbm>>
      %dma_wait3A_89 = arith.constant 0 : i32
      %dma_wait3A_90 = tpu.memref_slice %arg6[%add3A_54, %dma_wait3A_89] : memref<20480x128xf32, #tpu.memory_space<hbm>> -> memref<80x128xf32, #tpu.memory_space<hbm>>
      tpu.wait_dma2 semaphore(%run_scoped3A : memref<!tpu.dma_semaphore, #tpu.memory_space<semaphore_mem>>) src(%arg7 : memref<80x128xf32, #tpu.memory_space<vmem>>) dst(%dma_wait3A_90 : memref<80x128xf32, #tpu.memory_space<hbm>>)
      tpu.yield
    }) : () -> ()
    %add3A_55 = arith.constant 80 : i32
    %add3A_56 = arith.addi %mul3A_2, %add3A_55 : i32
    "tpu.region"() ({
      %run_scoped3A = tpu.sem_alloc : memref<!tpu.dma_semaphore, #tpu.memory_space<semaphore_mem>>
      %dma_start3A_83 = arith.constant 0 : i32
      %dma_start3A_84 = tpu.memref_slice %arg13[%add3A_56, %dma_start3A_83] : memref<10240x128xf32, #tpu.memory_space<vmem_shared>> -> memref<80x128xf32, #tpu.memory_space<vmem_shared>>
      %dma_start3A_85 = arith.constant 0 : i32
      %dma_start3A_86 = tpu.memref_slice %arg13[%add3A_56, %dma_start3A_85] : memref<10240x128xf32, #tpu.memory_space<vmem_shared>> -> memref<80x128xf32, #tpu.memory_space<vmem_shared>>
      tpu.enqueue_dma source(%dma_start3A_86 : memref<80x128xf32, #tpu.memory_space<vmem_shared>>) target(%arg7 : memref<80x128xf32, #tpu.memory_space<vmem>>) target_semaphore(%run_scoped3A : memref<!tpu.dma_semaphore, #tpu.memory_space<semaphore_mem>>)
      %dma_wait3A_87 = arith.constant 0 : i32
      %dma_wait3A_88 = tpu.memref_slice %arg13[%add3A_56, %dma_wait3A_87] : memref<10240x128xf32, #tpu.memory_space<vmem_shared>> -> memref<80x128xf32, #tpu.memory_space<vmem_shared>>
      %dma_wait3A_89 = arith.constant 0 : i32
      %dma_wait3A_90 = tpu.memref_slice %arg13[%add3A_56, %dma_wait3A_89] : memref<10240x128xf32, #tpu.memory_space<vmem_shared>> -> memref<80x128xf32, #tpu.memory_space<vmem_shared>>
      tpu.wait_dma2 semaphore(%run_scoped3A : memref<!tpu.dma_semaphore, #tpu.memory_space<semaphore_mem>>) src(%dma_wait3A_90 : memref<80x128xf32, #tpu.memory_space<vmem_shared>>) dst(%arg7 : memref<80x128xf32, #tpu.memory_space<vmem>>)
      tpu.yield
    }) : () -> ()
    %add3A_57 = arith.constant 80 : i32
    %add3A_58 = arith.addi %add3A_50, %add3A_57 : i32
    "tpu.region"() ({
      %run_scoped3A = tpu.sem_alloc : memref<!tpu.dma_semaphore, #tpu.memory_space<semaphore_mem>>
      %dma_start3A_83 = arith.constant 0 : i32
      %dma_start3A_84 = tpu.memref_slice %arg6[%add3A_58, %dma_start3A_83] : memref<20480x128xf32, #tpu.memory_space<hbm>> -> memref<80x128xf32, #tpu.memory_space<hbm>>
      %dma_start3A_85 = arith.constant 0 : i32
      %dma_start3A_86 = tpu.memref_slice %arg6[%add3A_58, %dma_start3A_85] : memref<20480x128xf32, #tpu.memory_space<hbm>> -> memref<80x128xf32, #tpu.memory_space<hbm>>
      tpu.enqueue_dma source(%arg7 : memref<80x128xf32, #tpu.memory_space<vmem>>) target(%dma_start3A_86 : memref<80x128xf32, #tpu.memory_space<hbm>>) target_semaphore(%run_scoped3A : memref<!tpu.dma_semaphore, #tpu.memory_space<semaphore_mem>>)
      %dma_wait3A_87 = arith.constant 0 : i32
      %dma_wait3A_88 = tpu.memref_slice %arg6[%add3A_58, %dma_wait3A_87] : memref<20480x128xf32, #tpu.memory_space<hbm>> -> memref<80x128xf32, #tpu.memory_space<hbm>>
      %dma_wait3A_89 = arith.constant 0 : i32
      %dma_wait3A_90 = tpu.memref_slice %arg6[%add3A_58, %dma_wait3A_89] : memref<20480x128xf32, #tpu.memory_space<hbm>> -> memref<80x128xf32, #tpu.memory_space<hbm>>
      tpu.wait_dma2 semaphore(%run_scoped3A : memref<!tpu.dma_semaphore, #tpu.memory_space<semaphore_mem>>) src(%arg7 : memref<80x128xf32, #tpu.memory_space<vmem>>) dst(%dma_wait3A_90 : memref<80x128xf32, #tpu.memory_space<hbm>>)
      tpu.yield
    }) : () -> ()
    %add3A_59 = arith.constant 160 : i32
    %add3A_60 = arith.addi %mul3A_2, %add3A_59 : i32
    "tpu.region"() ({
      %run_scoped3A = tpu.sem_alloc : memref<!tpu.dma_semaphore, #tpu.memory_space<semaphore_mem>>
      %dma_start3A_83 = arith.constant 0 : i32
      %dma_start3A_84 = tpu.memref_slice %arg13[%add3A_60, %dma_start3A_83] : memref<10240x128xf32, #tpu.memory_space<vmem_shared>> -> memref<80x128xf32, #tpu.memory_space<vmem_shared>>
      %dma_start3A_85 = arith.constant 0 : i32
      %dma_start3A_86 = tpu.memref_slice %arg13[%add3A_60, %dma_start3A_85] : memref<10240x128xf32, #tpu.memory_space<vmem_shared>> -> memref<80x128xf32, #tpu.memory_space<vmem_shared>>
      tpu.enqueue_dma source(%dma_start3A_86 : memref<80x128xf32, #tpu.memory_space<vmem_shared>>) target(%arg7 : memref<80x128xf32, #tpu.memory_space<vmem>>) target_semaphore(%run_scoped3A : memref<!tpu.dma_semaphore, #tpu.memory_space<semaphore_mem>>)
      %dma_wait3A_87 = arith.constant 0 : i32
      %dma_wait3A_88 = tpu.memref_slice %arg13[%add3A_60, %dma_wait3A_87] : memref<10240x128xf32, #tpu.memory_space<vmem_shared>> -> memref<80x128xf32, #tpu.memory_space<vmem_shared>>
      %dma_wait3A_89 = arith.constant 0 : i32
      %dma_wait3A_90 = tpu.memref_slice %arg13[%add3A_60, %dma_wait3A_89] : memref<10240x128xf32, #tpu.memory_space<vmem_shared>> -> memref<80x128xf32, #tpu.memory_space<vmem_shared>>
      tpu.wait_dma2 semaphore(%run_scoped3A : memref<!tpu.dma_semaphore, #tpu.memory_space<semaphore_mem>>) src(%dma_wait3A_90 : memref<80x128xf32, #tpu.memory_space<vmem_shared>>) dst(%arg7 : memref<80x128xf32, #tpu.memory_space<vmem>>)
      tpu.yield
    }) : () -> ()
    %add3A_61 = arith.constant 160 : i32
    %add3A_62 = arith.addi %add3A_50, %add3A_61 : i32
    "tpu.region"() ({
      %run_scoped3A = tpu.sem_alloc : memref<!tpu.dma_semaphore, #tpu.memory_space<semaphore_mem>>
      %dma_start3A_83 = arith.constant 0 : i32
      %dma_start3A_84 = tpu.memref_slice %arg6[%add3A_62, %dma_start3A_83] : memref<20480x128xf32, #tpu.memory_space<hbm>> -> memref<80x128xf32, #tpu.memory_space<hbm>>
      %dma_start3A_85 = arith.constant 0 : i32
      %dma_start3A_86 = tpu.memref_slice %arg6[%add3A_62, %dma_start3A_85] : memref<20480x128xf32, #tpu.memory_space<hbm>> -> memref<80x128xf32, #tpu.memory_space<hbm>>
      tpu.enqueue_dma source(%arg7 : memref<80x128xf32, #tpu.memory_space<vmem>>) target(%dma_start3A_86 : memref<80x128xf32, #tpu.memory_space<hbm>>) target_semaphore(%run_scoped3A : memref<!tpu.dma_semaphore, #tpu.memory_space<semaphore_mem>>)
      %dma_wait3A_87 = arith.constant 0 : i32
      %dma_wait3A_88 = tpu.memref_slice %arg6[%add3A_62, %dma_wait3A_87] : memref<20480x128xf32, #tpu.memory_space<hbm>> -> memref<80x128xf32, #tpu.memory_space<hbm>>
      %dma_wait3A_89 = arith.constant 0 : i32
      %dma_wait3A_90 = tpu.memref_slice %arg6[%add3A_62, %dma_wait3A_89] : memref<20480x128xf32, #tpu.memory_space<hbm>> -> memref<80x128xf32, #tpu.memory_space<hbm>>
      tpu.wait_dma2 semaphore(%run_scoped3A : memref<!tpu.dma_semaphore, #tpu.memory_space<semaphore_mem>>) src(%arg7 : memref<80x128xf32, #tpu.memory_space<vmem>>) dst(%dma_wait3A_90 : memref<80x128xf32, #tpu.memory_space<hbm>>)
      tpu.yield
    }) : () -> ()
    %add3A_63 = arith.constant 240 : i32
    %add3A_64 = arith.addi %mul3A_2, %add3A_63 : i32
    "tpu.region"() ({
      %run_scoped3A = tpu.sem_alloc : memref<!tpu.dma_semaphore, #tpu.memory_space<semaphore_mem>>
      %dma_start3A_83 = arith.constant 0 : i32
      %dma_start3A_84 = tpu.memref_slice %arg13[%add3A_64, %dma_start3A_83] : memref<10240x128xf32, #tpu.memory_space<vmem_shared>> -> memref<80x128xf32, #tpu.memory_space<vmem_shared>>
      %dma_start3A_85 = arith.constant 0 : i32
      %dma_start3A_86 = tpu.memref_slice %arg13[%add3A_64, %dma_start3A_85] : memref<10240x128xf32, #tpu.memory_space<vmem_shared>> -> memref<80x128xf32, #tpu.memory_space<vmem_shared>>
      tpu.enqueue_dma source(%dma_start3A_86 : memref<80x128xf32, #tpu.memory_space<vmem_shared>>) target(%arg7 : memref<80x128xf32, #tpu.memory_space<vmem>>) target_semaphore(%run_scoped3A : memref<!tpu.dma_semaphore, #tpu.memory_space<semaphore_mem>>)
      %dma_wait3A_87 = arith.constant 0 : i32
      %dma_wait3A_88 = tpu.memref_slice %arg13[%add3A_64, %dma_wait3A_87] : memref<10240x128xf32, #tpu.memory_space<vmem_shared>> -> memref<80x128xf32, #tpu.memory_space<vmem_shared>>
      %dma_wait3A_89 = arith.constant 0 : i32
      %dma_wait3A_90 = tpu.memref_slice %arg13[%add3A_64, %dma_wait3A_89] : memref<10240x128xf32, #tpu.memory_space<vmem_shared>> -> memref<80x128xf32, #tpu.memory_space<vmem_shared>>
      tpu.wait_dma2 semaphore(%run_scoped3A : memref<!tpu.dma_semaphore, #tpu.memory_space<semaphore_mem>>) src(%dma_wait3A_90 : memref<80x128xf32, #tpu.memory_space<vmem_shared>>) dst(%arg7 : memref<80x128xf32, #tpu.memory_space<vmem>>)
      tpu.yield
    }) : () -> ()
    %add3A_65 = arith.constant 240 : i32
    %add3A_66 = arith.addi %add3A_50, %add3A_65 : i32
    "tpu.region"() ({
      %run_scoped3A = tpu.sem_alloc : memref<!tpu.dma_semaphore, #tpu.memory_space<semaphore_mem>>
      %dma_start3A_83 = arith.constant 0 : i32
      %dma_start3A_84 = tpu.memref_slice %arg6[%add3A_66, %dma_start3A_83] : memref<20480x128xf32, #tpu.memory_space<hbm>> -> memref<80x128xf32, #tpu.memory_space<hbm>>
      %dma_start3A_85 = arith.constant 0 : i32
      %dma_start3A_86 = tpu.memref_slice %arg6[%add3A_66, %dma_start3A_85] : memref<20480x128xf32, #tpu.memory_space<hbm>> -> memref<80x128xf32, #tpu.memory_space<hbm>>
      tpu.enqueue_dma source(%arg7 : memref<80x128xf32, #tpu.memory_space<vmem>>) target(%dma_start3A_86 : memref<80x128xf32, #tpu.memory_space<hbm>>) target_semaphore(%run_scoped3A : memref<!tpu.dma_semaphore, #tpu.memory_space<semaphore_mem>>)
      %dma_wait3A_87 = arith.constant 0 : i32
      %dma_wait3A_88 = tpu.memref_slice %arg6[%add3A_66, %dma_wait3A_87] : memref<20480x128xf32, #tpu.memory_space<hbm>> -> memref<80x128xf32, #tpu.memory_space<hbm>>
      %dma_wait3A_89 = arith.constant 0 : i32
      %dma_wait3A_90 = tpu.memref_slice %arg6[%add3A_66, %dma_wait3A_89] : memref<20480x128xf32, #tpu.memory_space<hbm>> -> memref<80x128xf32, #tpu.memory_space<hbm>>
      tpu.wait_dma2 semaphore(%run_scoped3A : memref<!tpu.dma_semaphore, #tpu.memory_space<semaphore_mem>>) src(%arg7 : memref<80x128xf32, #tpu.memory_space<vmem>>) dst(%dma_wait3A_90 : memref<80x128xf32, #tpu.memory_space<hbm>>)
      tpu.yield
    }) : () -> ()
    %add3A_67 = arith.constant 320 : i32
    %add3A_68 = arith.addi %mul3A_2, %add3A_67 : i32
    "tpu.region"() ({
      %run_scoped3A = tpu.sem_alloc : memref<!tpu.dma_semaphore, #tpu.memory_space<semaphore_mem>>
      %dma_start3A_83 = arith.constant 0 : i32
      %dma_start3A_84 = tpu.memref_slice %arg13[%add3A_68, %dma_start3A_83] : memref<10240x128xf32, #tpu.memory_space<vmem_shared>> -> memref<80x128xf32, #tpu.memory_space<vmem_shared>>
      %dma_start3A_85 = arith.constant 0 : i32
      %dma_start3A_86 = tpu.memref_slice %arg13[%add3A_68, %dma_start3A_85] : memref<10240x128xf32, #tpu.memory_space<vmem_shared>> -> memref<80x128xf32, #tpu.memory_space<vmem_shared>>
      tpu.enqueue_dma source(%dma_start3A_86 : memref<80x128xf32, #tpu.memory_space<vmem_shared>>) target(%arg7 : memref<80x128xf32, #tpu.memory_space<vmem>>) target_semaphore(%run_scoped3A : memref<!tpu.dma_semaphore, #tpu.memory_space<semaphore_mem>>)
      %dma_wait3A_87 = arith.constant 0 : i32
      %dma_wait3A_88 = tpu.memref_slice %arg13[%add3A_68, %dma_wait3A_87] : memref<10240x128xf32, #tpu.memory_space<vmem_shared>> -> memref<80x128xf32, #tpu.memory_space<vmem_shared>>
      %dma_wait3A_89 = arith.constant 0 : i32
      %dma_wait3A_90 = tpu.memref_slice %arg13[%add3A_68, %dma_wait3A_89] : memref<10240x128xf32, #tpu.memory_space<vmem_shared>> -> memref<80x128xf32, #tpu.memory_space<vmem_shared>>
      tpu.wait_dma2 semaphore(%run_scoped3A : memref<!tpu.dma_semaphore, #tpu.memory_space<semaphore_mem>>) src(%dma_wait3A_90 : memref<80x128xf32, #tpu.memory_space<vmem_shared>>) dst(%arg7 : memref<80x128xf32, #tpu.memory_space<vmem>>)
      tpu.yield
    }) : () -> ()
    %add3A_69 = arith.constant 320 : i32
    %add3A_70 = arith.addi %add3A_50, %add3A_69 : i32
    "tpu.region"() ({
      %run_scoped3A = tpu.sem_alloc : memref<!tpu.dma_semaphore, #tpu.memory_space<semaphore_mem>>
      %dma_start3A_83 = arith.constant 0 : i32
      %dma_start3A_84 = tpu.memref_slice %arg6[%add3A_70, %dma_start3A_83] : memref<20480x128xf32, #tpu.memory_space<hbm>> -> memref<80x128xf32, #tpu.memory_space<hbm>>
      %dma_start3A_85 = arith.constant 0 : i32
      %dma_start3A_86 = tpu.memref_slice %arg6[%add3A_70, %dma_start3A_85] : memref<20480x128xf32, #tpu.memory_space<hbm>> -> memref<80x128xf32, #tpu.memory_space<hbm>>
      tpu.enqueue_dma source(%arg7 : memref<80x128xf32, #tpu.memory_space<vmem>>) target(%dma_start3A_86 : memref<80x128xf32, #tpu.memory_space<hbm>>) target_semaphore(%run_scoped3A : memref<!tpu.dma_semaphore, #tpu.memory_space<semaphore_mem>>)
      %dma_wait3A_87 = arith.constant 0 : i32
      %dma_wait3A_88 = tpu.memref_slice %arg6[%add3A_70, %dma_wait3A_87] : memref<20480x128xf32, #tpu.memory_space<hbm>> -> memref<80x128xf32, #tpu.memory_space<hbm>>
      %dma_wait3A_89 = arith.constant 0 : i32
      %dma_wait3A_90 = tpu.memref_slice %arg6[%add3A_70, %dma_wait3A_89] : memref<20480x128xf32, #tpu.memory_space<hbm>> -> memref<80x128xf32, #tpu.memory_space<hbm>>
      tpu.wait_dma2 semaphore(%run_scoped3A : memref<!tpu.dma_semaphore, #tpu.memory_space<semaphore_mem>>) src(%arg7 : memref<80x128xf32, #tpu.memory_space<vmem>>) dst(%dma_wait3A_90 : memref<80x128xf32, #tpu.memory_space<hbm>>)
      tpu.yield
    }) : () -> ()
    %add3A_71 = arith.constant 400 : i32
    %add3A_72 = arith.addi %mul3A_2, %add3A_71 : i32
    "tpu.region"() ({
      %run_scoped3A = tpu.sem_alloc : memref<!tpu.dma_semaphore, #tpu.memory_space<semaphore_mem>>
      %dma_start3A_83 = arith.constant 0 : i32
      %dma_start3A_84 = tpu.memref_slice %arg13[%add3A_72, %dma_start3A_83] : memref<10240x128xf32, #tpu.memory_space<vmem_shared>> -> memref<80x128xf32, #tpu.memory_space<vmem_shared>>
      %dma_start3A_85 = arith.constant 0 : i32
      %dma_start3A_86 = tpu.memref_slice %arg13[%add3A_72, %dma_start3A_85] : memref<10240x128xf32, #tpu.memory_space<vmem_shared>> -> memref<80x128xf32, #tpu.memory_space<vmem_shared>>
      tpu.enqueue_dma source(%dma_start3A_86 : memref<80x128xf32, #tpu.memory_space<vmem_shared>>) target(%arg7 : memref<80x128xf32, #tpu.memory_space<vmem>>) target_semaphore(%run_scoped3A : memref<!tpu.dma_semaphore, #tpu.memory_space<semaphore_mem>>)
      %dma_wait3A_87 = arith.constant 0 : i32
      %dma_wait3A_88 = tpu.memref_slice %arg13[%add3A_72, %dma_wait3A_87] : memref<10240x128xf32, #tpu.memory_space<vmem_shared>> -> memref<80x128xf32, #tpu.memory_space<vmem_shared>>
      %dma_wait3A_89 = arith.constant 0 : i32
      %dma_wait3A_90 = tpu.memref_slice %arg13[%add3A_72, %dma_wait3A_89] : memref<10240x128xf32, #tpu.memory_space<vmem_shared>> -> memref<80x128xf32, #tpu.memory_space<vmem_shared>>
      tpu.wait_dma2 semaphore(%run_scoped3A : memref<!tpu.dma_semaphore, #tpu.memory_space<semaphore_mem>>) src(%dma_wait3A_90 : memref<80x128xf32, #tpu.memory_space<vmem_shared>>) dst(%arg7 : memref<80x128xf32, #tpu.memory_space<vmem>>)
      tpu.yield
    }) : () -> ()
    %add3A_73 = arith.constant 400 : i32
    %add3A_74 = arith.addi %add3A_50, %add3A_73 : i32
    "tpu.region"() ({
      %run_scoped3A = tpu.sem_alloc : memref<!tpu.dma_semaphore, #tpu.memory_space<semaphore_mem>>
      %dma_start3A_83 = arith.constant 0 : i32
      %dma_start3A_84 = tpu.memref_slice %arg6[%add3A_74, %dma_start3A_83] : memref<20480x128xf32, #tpu.memory_space<hbm>> -> memref<80x128xf32, #tpu.memory_space<hbm>>
      %dma_start3A_85 = arith.constant 0 : i32
      %dma_start3A_86 = tpu.memref_slice %arg6[%add3A_74, %dma_start3A_85] : memref<20480x128xf32, #tpu.memory_space<hbm>> -> memref<80x128xf32, #tpu.memory_space<hbm>>
      tpu.enqueue_dma source(%arg7 : memref<80x128xf32, #tpu.memory_space<vmem>>) target(%dma_start3A_86 : memref<80x128xf32, #tpu.memory_space<hbm>>) target_semaphore(%run_scoped3A : memref<!tpu.dma_semaphore, #tpu.memory_space<semaphore_mem>>)
      %dma_wait3A_87 = arith.constant 0 : i32
      %dma_wait3A_88 = tpu.memref_slice %arg6[%add3A_74, %dma_wait3A_87] : memref<20480x128xf32, #tpu.memory_space<hbm>> -> memref<80x128xf32, #tpu.memory_space<hbm>>
      %dma_wait3A_89 = arith.constant 0 : i32
      %dma_wait3A_90 = tpu.memref_slice %arg6[%add3A_74, %dma_wait3A_89] : memref<20480x128xf32, #tpu.memory_space<hbm>> -> memref<80x128xf32, #tpu.memory_space<hbm>>
      tpu.wait_dma2 semaphore(%run_scoped3A : memref<!tpu.dma_semaphore, #tpu.memory_space<semaphore_mem>>) src(%arg7 : memref<80x128xf32, #tpu.memory_space<vmem>>) dst(%dma_wait3A_90 : memref<80x128xf32, #tpu.memory_space<hbm>>)
      tpu.yield
    }) : () -> ()
    %add3A_75 = arith.constant 480 : i32
    %add3A_76 = arith.addi %mul3A_2, %add3A_75 : i32
    "tpu.region"() ({
      %run_scoped3A = tpu.sem_alloc : memref<!tpu.dma_semaphore, #tpu.memory_space<semaphore_mem>>
      %dma_start3A_83 = arith.constant 0 : i32
      %dma_start3A_84 = tpu.memref_slice %arg13[%add3A_76, %dma_start3A_83] : memref<10240x128xf32, #tpu.memory_space<vmem_shared>> -> memref<80x128xf32, #tpu.memory_space<vmem_shared>>
      %dma_start3A_85 = arith.constant 0 : i32
      %dma_start3A_86 = tpu.memref_slice %arg13[%add3A_76, %dma_start3A_85] : memref<10240x128xf32, #tpu.memory_space<vmem_shared>> -> memref<80x128xf32, #tpu.memory_space<vmem_shared>>
      tpu.enqueue_dma source(%dma_start3A_86 : memref<80x128xf32, #tpu.memory_space<vmem_shared>>) target(%arg7 : memref<80x128xf32, #tpu.memory_space<vmem>>) target_semaphore(%run_scoped3A : memref<!tpu.dma_semaphore, #tpu.memory_space<semaphore_mem>>)
      %dma_wait3A_87 = arith.constant 0 : i32
      %dma_wait3A_88 = tpu.memref_slice %arg13[%add3A_76, %dma_wait3A_87] : memref<10240x128xf32, #tpu.memory_space<vmem_shared>> -> memref<80x128xf32, #tpu.memory_space<vmem_shared>>
      %dma_wait3A_89 = arith.constant 0 : i32
      %dma_wait3A_90 = tpu.memref_slice %arg13[%add3A_76, %dma_wait3A_89] : memref<10240x128xf32, #tpu.memory_space<vmem_shared>> -> memref<80x128xf32, #tpu.memory_space<vmem_shared>>
      tpu.wait_dma2 semaphore(%run_scoped3A : memref<!tpu.dma_semaphore, #tpu.memory_space<semaphore_mem>>) src(%dma_wait3A_90 : memref<80x128xf32, #tpu.memory_space<vmem_shared>>) dst(%arg7 : memref<80x128xf32, #tpu.memory_space<vmem>>)
      tpu.yield
    }) : () -> ()
    %add3A_77 = arith.constant 480 : i32
    %add3A_78 = arith.addi %add3A_50, %add3A_77 : i32
    "tpu.region"() ({
      %run_scoped3A = tpu.sem_alloc : memref<!tpu.dma_semaphore, #tpu.memory_space<semaphore_mem>>
      %dma_start3A_83 = arith.constant 0 : i32
      %dma_start3A_84 = tpu.memref_slice %arg6[%add3A_78, %dma_start3A_83] : memref<20480x128xf32, #tpu.memory_space<hbm>> -> memref<80x128xf32, #tpu.memory_space<hbm>>
      %dma_start3A_85 = arith.constant 0 : i32
      %dma_start3A_86 = tpu.memref_slice %arg6[%add3A_78, %dma_start3A_85] : memref<20480x128xf32, #tpu.memory_space<hbm>> -> memref<80x128xf32, #tpu.memory_space<hbm>>
      tpu.enqueue_dma source(%arg7 : memref<80x128xf32, #tpu.memory_space<vmem>>) target(%dma_start3A_86 : memref<80x128xf32, #tpu.memory_space<hbm>>) target_semaphore(%run_scoped3A : memref<!tpu.dma_semaphore, #tpu.memory_space<semaphore_mem>>)
      %dma_wait3A_87 = arith.constant 0 : i32
      %dma_wait3A_88 = tpu.memref_slice %arg6[%add3A_78, %dma_wait3A_87] : memref<20480x128xf32, #tpu.memory_space<hbm>> -> memref<80x128xf32, #tpu.memory_space<hbm>>
      %dma_wait3A_89 = arith.constant 0 : i32
      %dma_wait3A_90 = tpu.memref_slice %arg6[%add3A_78, %dma_wait3A_89] : memref<20480x128xf32, #tpu.memory_space<hbm>> -> memref<80x128xf32, #tpu.memory_space<hbm>>
      tpu.wait_dma2 semaphore(%run_scoped3A : memref<!tpu.dma_semaphore, #tpu.memory_space<semaphore_mem>>) src(%arg7 : memref<80x128xf32, #tpu.memory_space<vmem>>) dst(%dma_wait3A_90 : memref<80x128xf32, #tpu.memory_space<hbm>>)
      tpu.yield
    }) : () -> ()
    %add3A_79 = arith.constant 560 : i32
    %add3A_80 = arith.addi %mul3A_2, %add3A_79 : i32
    "tpu.region"() ({
      %run_scoped3A = tpu.sem_alloc : memref<!tpu.dma_semaphore, #tpu.memory_space<semaphore_mem>>
      %dma_start3A_83 = arith.constant 0 : i32
      %dma_start3A_84 = tpu.memref_slice %arg13[%add3A_80, %dma_start3A_83] : memref<10240x128xf32, #tpu.memory_space<vmem_shared>> -> memref<80x128xf32, #tpu.memory_space<vmem_shared>>
      %dma_start3A_85 = arith.constant 0 : i32
      %dma_start3A_86 = tpu.memref_slice %arg13[%add3A_80, %dma_start3A_85] : memref<10240x128xf32, #tpu.memory_space<vmem_shared>> -> memref<80x128xf32, #tpu.memory_space<vmem_shared>>
      tpu.enqueue_dma source(%dma_start3A_86 : memref<80x128xf32, #tpu.memory_space<vmem_shared>>) target(%arg7 : memref<80x128xf32, #tpu.memory_space<vmem>>) target_semaphore(%run_scoped3A : memref<!tpu.dma_semaphore, #tpu.memory_space<semaphore_mem>>)
      %dma_wait3A_87 = arith.constant 0 : i32
      %dma_wait3A_88 = tpu.memref_slice %arg13[%add3A_80, %dma_wait3A_87] : memref<10240x128xf32, #tpu.memory_space<vmem_shared>> -> memref<80x128xf32, #tpu.memory_space<vmem_shared>>
      %dma_wait3A_89 = arith.constant 0 : i32
      %dma_wait3A_90 = tpu.memref_slice %arg13[%add3A_80, %dma_wait3A_89] : memref<10240x128xf32, #tpu.memory_space<vmem_shared>> -> memref<80x128xf32, #tpu.memory_space<vmem_shared>>
      tpu.wait_dma2 semaphore(%run_scoped3A : memref<!tpu.dma_semaphore, #tpu.memory_space<semaphore_mem>>) src(%dma_wait3A_90 : memref<80x128xf32, #tpu.memory_space<vmem_shared>>) dst(%arg7 : memref<80x128xf32, #tpu.memory_space<vmem>>)
      tpu.yield
    }) : () -> ()
    %add3A_81 = arith.constant 560 : i32
    %add3A_82 = arith.addi %add3A_50, %add3A_81 : i32
    "tpu.region"() ({
      %run_scoped3A = tpu.sem_alloc : memref<!tpu.dma_semaphore, #tpu.memory_space<semaphore_mem>>
      %dma_start3A_83 = arith.constant 0 : i32
      %dma_start3A_84 = tpu.memref_slice %arg6[%add3A_82, %dma_start3A_83] : memref<20480x128xf32, #tpu.memory_space<hbm>> -> memref<80x128xf32, #tpu.memory_space<hbm>>
      %dma_start3A_85 = arith.constant 0 : i32
      %dma_start3A_86 = tpu.memref_slice %arg6[%add3A_82, %dma_start3A_85] : memref<20480x128xf32, #tpu.memory_space<hbm>> -> memref<80x128xf32, #tpu.memory_space<hbm>>
      tpu.enqueue_dma source(%arg7 : memref<80x128xf32, #tpu.memory_space<vmem>>) target(%dma_start3A_86 : memref<80x128xf32, #tpu.memory_space<hbm>>) target_semaphore(%run_scoped3A : memref<!tpu.dma_semaphore, #tpu.memory_space<semaphore_mem>>)
      %dma_wait3A_87 = arith.constant 0 : i32
      %dma_wait3A_88 = tpu.memref_slice %arg6[%add3A_82, %dma_wait3A_87] : memref<20480x128xf32, #tpu.memory_space<hbm>> -> memref<80x128xf32, #tpu.memory_space<hbm>>
      %dma_wait3A_89 = arith.constant 0 : i32
      %dma_wait3A_90 = tpu.memref_slice %arg6[%add3A_82, %dma_wait3A_89] : memref<20480x128xf32, #tpu.memory_space<hbm>> -> memref<80x128xf32, #tpu.memory_space<hbm>>
      tpu.wait_dma2 semaphore(%run_scoped3A : memref<!tpu.dma_semaphore, #tpu.memory_space<semaphore_mem>>) src(%arg7 : memref<80x128xf32, #tpu.memory_space<vmem>>) dst(%dma_wait3A_90 : memref<80x128xf32, #tpu.memory_space<hbm>>)
      tpu.yield
    }) : () -> ()
    return
  }
}

module attributes {stable_mosaic.version = 14 : i64} {
  func.func @body(%arg0: memref<64x10240xf32, #tpu.memory_space<vmem>>, %arg1: memref<2x10240x128xf32, #tpu.memory_space<vmem>>, %arg2: memref<1x10240xf32, #tpu.memory_space<vmem>>, %arg3: memref<128x128xf32, #tpu.memory_space<vmem>>, %arg4: memref<1x128xf32, #tpu.memory_space<vmem>>, %arg5: memref<64x128xf32, #tpu.memory_space<vmem>>) attributes {dimension_semantics = [], scalar_prefetch = 0 : i64, scratch_operands = 0 : i64, tpu.core_type = #tpu.core_type<tc>} {
    %get3A = arith.constant 0 : index
    %get3A_0 = arith.constant 0 : index
    %get3A_1 = vector.load %arg0[%get3A, %get3A_0] : memref<64x10240xf32, #tpu.memory_space<vmem>>, vector<64x10240xf32>
    %get3A_2 = arith.constant 0 : index
    %get3A_3 = arith.constant 0 : index
    %get3A_4 = arith.constant 0 : index
    %get3A_5 = vector.load %arg1[%get3A_2, %get3A_3, %get3A_4] : memref<2x10240x128xf32, #tpu.memory_space<vmem>>, vector<1x10240x128xf32>
    %get3A_6 = vector.shape_cast %get3A_5 : vector<1x10240x128xf32> to vector<10240x128xf32>
    %get3A_7 = arith.constant 1 : index
    %get3A_8 = arith.constant 0 : index
    %get3A_9 = arith.constant 0 : index
    %get3A_10 = vector.load %arg1[%get3A_7, %get3A_8, %get3A_9] : memref<2x10240x128xf32, #tpu.memory_space<vmem>>, vector<1x10240x128xf32>
    %get3A_11 = vector.shape_cast %get3A_10 : vector<1x10240x128xf32> to vector<10240x128xf32>
    %add3A = arith.addf %get3A_6, %get3A_11 : vector<10240x128xf32>
    %dot_general3A = arith.constant dense<0.000000e+00> : vector<64x128xf32>
    %dot_general3A_12 = tpu.matmul %get3A_1, %add3A, %dot_general3A {dimension_numbers = #tpu.dot_dimension_numbers<[1], [0], [0], [1], [0, 0, 1, 1], [], []>, precision = #tpu.contract_precision<fp32>, transpose_lhs_hint = false} : vector<64x10240xf32>, vector<10240x128xf32>, vector<64x128xf32> -> vector<64x128xf32>
    %get3A_13 = arith.constant 0 : index
    %get3A_14 = arith.constant 0 : index
    %get3A_15 = vector.load %arg2[%get3A_13, %get3A_14] : memref<1x10240xf32, #tpu.memory_space<vmem>>, vector<1x10240xf32>
    %mul3A = vector.broadcast %get3A_15 : vector<1x10240xf32> to vector<64x10240xf32>
    %mul3A_16 = arith.mulf %get3A_1, %mul3A : vector<64x10240xf32>
    %reduce_sum3A = arith.constant dense<0.000000e+00> : vector<64xf32>
    %reduce_sum3A_17 = vector.multi_reduction <add>, %mul3A_16, %reduce_sum3A [1] : vector<64x10240xf32> to vector<64xf32>
    %broadcast_in_dim3A = vector.shape_cast %reduce_sum3A_17 : vector<64xf32> to vector<64x1xf32>
    %div3A = arith.constant 1.000000e+00 : f32
    %div3A_18 = vector.broadcast %div3A : f32 to vector<64x1xf32>
    %div3A_19 = arith.divf %div3A_18, %broadcast_in_dim3A : vector<64x1xf32>
    %abs3A = math.absf %div3A_19 : vector<64x1xf32>
    %eq3A = arith.constant 0x7F800000 : f32
    %eq3A_20 = vector.broadcast %eq3A : f32 to vector<64x1xf32>
    %eq3A_21 = arith.cmpf oeq, %abs3A, %eq3A_20 : vector<64x1xf32>
    %jit3A = arith.constant 0.000000e+00 : f32
    %broadcast_in_dim3A_22 = vector.broadcast %jit3A : f32 to vector<64x1xf32>
    %select_n3A = arith.select %eq3A_21, %broadcast_in_dim3A_22, %div3A_19 : vector<64x1xi1>, vector<64x1xf32>
    %get3A_23 = arith.constant 0 : index
    %get3A_24 = arith.constant 0 : index
    %get3A_25 = vector.load %arg3[%get3A_23, %get3A_24] : memref<128x128xf32, #tpu.memory_space<vmem>>, vector<128x128xf32>
    %dot_general3A_26 = arith.constant dense<0.000000e+00> : vector<64x128xf32>
    %dot_general3A_27 = tpu.matmul %dot_general3A_12, %get3A_25, %dot_general3A_26 {dimension_numbers = #tpu.dot_dimension_numbers<[1], [0], [0], [1], [0, 0, 1, 1], [], []>, precision = #tpu.contract_precision<fp32>, transpose_lhs_hint = false} : vector<64x128xf32>, vector<128x128xf32>, vector<64x128xf32> -> vector<64x128xf32>
    %get3A_28 = arith.constant 0 : index
    %get3A_29 = arith.constant 0 : index
    %get3A_30 = vector.load %arg4[%get3A_28, %get3A_29] : memref<1x128xf32, #tpu.memory_space<vmem>>, vector<1x128xf32>
    %mul3A_31 = vector.broadcast %broadcast_in_dim3A : vector<64x1xf32> to vector<64x128xf32>
    %mul3A_32 = vector.broadcast %get3A_30 : vector<1x128xf32> to vector<64x128xf32>
    %mul3A_33 = arith.mulf %mul3A_31, %mul3A_32 : vector<64x128xf32>
    %add3A_34 = arith.addf %dot_general3A_27, %mul3A_33 : vector<64x128xf32>
    %mul3A_35 = vector.broadcast %select_n3A : vector<64x1xf32> to vector<64x128xf32>
    %mul3A_36 = arith.mulf %add3A_34, %mul3A_35 : vector<64x128xf32>
    %swap3A = arith.constant 0 : index
    %swap3A_37 = arith.constant 0 : index
    %swap3A_38 = vector.load %arg5[%swap3A, %swap3A_37] : memref<64x128xf32, #tpu.memory_space<vmem>>, vector<64x128xf32>
    tpu.vector_store %arg5[%swap3A, %swap3A_37], %mul3A_36 {strides = array<i32>} : memref<64x128xf32, #tpu.memory_space<vmem>>, vector<64x128xf32>,
    return
  }
}

</mosaic_0001>

<sc_bundles>
// kernel: kernel.4.cloned.1.call-start
scs
__scs_entry_jumppad:
0x0: {  	(pc) =	sbr.rel $0x88, $3  }
0x1: {  	(tag) =	ssettag $0x0;
	lr =	simm.s32 $0x1  }
0x2: {  	[smem:$0x3F9C] =	sst lr;
	_ =	strace $0xD0000000  }
0x3: {  	_ = 	snop  }
0x4: {  	_ = 	snop  }
0x5: {  	_ = 	snop  }
0x6: {  	_ = 	snop  }
0x7: {  	_ = 	snop  }
__scs_overlays_trampoline_lowered:
0x8: {  	[smem:$0x3FAB] =	sst s0  }
0x9: {  	[smem:$0x3FAC] =	sst s1  }
0xa: {  	[smem:$0x3FAD] =	sst s2  }
0xb: {  	[smem:$0x3FAE] =	sst s3  }
0xc: {  	[smem:$0x3FAF] =	sst s4  }
0xd: {  	[smem:$0x3FB0] =	sst s5  }
0xe: {  	[smem:$0x3FB1] =	sst s6  }
0xf: {  	[smem:$0x3FB2] =	sst s7  }
0x10: {  	[smem:$0x3FB3] =	sst s8  }
0x11: {  	[smem:$0x3FB4] =	sst s9;
	s0 =	simm.s32 @!p0 $0x0  }
0x12: {  	s1 =	sld [smem:$0x3F9A];
	s0 =	simm.s32 @p0 $0x1  }
0x13: {  	[smem:$0x3FB5] =	sst s0;
	s0 =	simm.s32 @!p1 $0x0  }
0x14: {  	s2 =	sld [smem:$0x3F99];
	s0 =	simm.s32 @p1 $0x1  }
0x15: {  	[smem:$0x3FB6] =	sst s0;
	s0 =	simm.s32 @!p2 $0x0  }
0x16: {  	s3 =	sld [smem:$0x3FDB];
	s0 =	simm.s32 @p2 $0x1  }
0x17: {  	s4 =	simm.s32 $0x1BF5;
	[smem:$0x3FB8] =	sst s0  }
0x18: {  	s0 =	sld [smem:$0x3F9B];
	_ =	swait.ge [sflag:s4], $0x0  }
0x19: {  	s7 =	sld [smem:$0x3F9C]  }
0x1a: {  	s8 =	sadd.s32 $0xFFFFE003, lr  }
0x1b: {  	s9 =	sadd.s32 $0xFFFFFEF7, lr;
	s5 =	simm.s32 $0xFFFFFFFF;
	p2 =	slt.u32 s8, $0xFFFFF086  }
0x1c: {  	p1 =	slt.u32 s9, $0xF7A;
	s5 =	simm.s32 @!p2 $0x0  }
0x1d: {  	s5 =	simm.s32 @p1 $0x1;
	p0 =	seq.s32 s7, s2  }
0x1e: {  	s7 =	smul.u32 @!p0 $0xF7A, s2;
	p2 =	seq.s32 @!p0 s5, $0x0  }
0x1f: {  	s9 =	smul.u32 $0xF7A, s1;
	s8 =	simm.s32 @!p0 $0x1BF5;
	p2 =	por !p2, p0  }
0x20: {  	[sflag:s8] =	ssyncset.s32 @!p0 $0xFFFFF086;
	s6 =	sadd.s32 @!p0 s3, s7;
	s7 =	simm.s32 @!p0 $0x108  }
0x21: {  	s3 =	sadd.s32 s3, s9;
	s6 =	sadd.s32 @!p0 $0x88, s6;
	s7 =	simm.s32 @p2 $0x1082  }
0x22: {  	[simem:s7], [sflag:s8] =	dma.local @!p0 [hbm:s6], $0xF7A  }
0x23: {  	s9 =	sor.u32 $0xD0000000, s2;
	s6 =	simm.s32 $0x108;
	_ =	swait.ge @!p0 [sflag:s8], $0x0  }
0x24: {  	s3 =	sadd.s32 $0x88, s3;
	s6 =	simm.s32 @!p1 $0x1082;
	[sflag:s4] =	ssyncset.s32 $0xFFFFF086  }
0x25: {  	[simem:s6], [sflag:s4] =	dma.local [hbm:s3], $0xF7A  }
0x26: {  	[smem:$0x3F9C] =	sst s1;
	(tag) =	ssettag s2;
	_ =	strace s9  }
0x27: {  	s1 =	sld [smem:$0x3FAC]  }
0x28: {  	s2 =	sld [smem:$0x3FAD]  }
0x29: {  	s4 =	sld [smem:$0x3FAF]  }
0x2a: {  	p0 =	seq.s32 s5, $0x0;
	s5 =	sld [smem:$0x3FB0]  }
0x2b: {  	s6 =	sld [smem:$0x3FB1]  }
0x2c: {  	s7 =	sld [smem:$0x3FB2]  }
0x2d: {  	s3 =	simm.s32 $0x108;
	s8 =	sld [smem:$0x3FB3]  }
0x2e: {  	s3 =	simm.s32 @!p0 $0x1082;
	s9 =	sld [smem:$0x3FB4]  }
0x2f: {  	lr =	sadd.s32 s0, s3;
	s0 =	sld [smem:$0x3FAB]  }
0x30: {  	s3 =	sld [smem:$0x3FAE]  }
0x31: {  	[smem:$0x3FB7] =	sst s10  }
0x32: {  	s10 =	sld [smem:$0x3FB5];
	_ =	sdelay $0x3  }
0x33: {  	p0 =	seq.s32 s10, $0x1;
	s10 =	sld [smem:$0x3FB7];
	_ =	sdelay $0x3  }
0x34: {  	[smem:$0x3FB7] =	sst s10  }
0x35: {  	s10 =	sld [smem:$0x3FB6];
	_ =	sdelay $0x3  }
0x36: {  	p1 =	seq.s32 s10, $0x1;
	s10 =	sld [smem:$0x3FB7];
	_ =	sdelay $0x3  }
0x37: {  	[smem:$0x3FB7] =	sst s10  }
0x38: {  	s10 =	sld [smem:$0x3FB8]  }
0x39: {  	_ = 	snop;
	(pc) =	sbr.ind lr, $3  }
0x3a: {  	_ = 	snop  }
0x3b: {  	_ = 	snop  }
0x3c: {  	p2 =	seq.s32 s10, $0x1;
	s10 =	sld [smem:$0x3FB7]  }
0x3d: {  	_ =	shalt  }
0x3e: {  	_ =	shalt  }
0x3f: {  	_ =	shalt  }
0x40: {  	_ =	shalt  }
0x41: {  	_ =	shalt  }
0x42: {  	_ =	shalt  }
0x43: {  	_ =	shalt  }
0x44: {  	_ =	shalt  }
0x45: {  	_ =	shalt  }
0x46: {  	_ =	shalt  }
0x47: {  	_ =	shalt  }
0x48: {  	_ =	shalt  }
0x49: {  	_ =	shalt  }
0x4a: {  	_ =	shalt  }
0x4b: {  	_ =	shalt  }
0x4c: {  	_ =	shalt  }
0x4d: {  	_ =	shalt  }
0x4e: {  	_ =	shalt  }
0x4f: {  	_ =	shalt  }
0x50: {  	_ =	shalt  }
0x51: {  	_ =	shalt  }
0x52: {  	_ =	shalt  }
0x53: {  	_ =	shalt  }
0x54: {  	_ =	shalt  }
0x55: {  	_ =	shalt  }
0x56: {  	_ =	shalt  }
0x57: {  	_ =	shalt  }
0x58: {  	_ =	shalt  }
0x59: {  	_ =	shalt  }
0x5a: {  	_ =	shalt  }
0x5b: {  	_ =	shalt  }
0x5c: {  	_ =	shalt  }
0x5d: {  	_ =	shalt  }
0x5e: {  	_ =	shalt  }
0x5f: {  	_ =	shalt  }
0x60: {  	_ =	shalt  }
0x61: {  	_ =	shalt  }
0x62: {  	_ =	shalt  }
0x63: {  	_ =	shalt  }
0x64: {  	_ =	shalt  }
0x65: {  	_ =	shalt  }
0x66: {  	_ =	shalt  }
0x67: {  	_ =	shalt  }
0x68: {  	_ =	shalt  }
0x69: {  	_ =	shalt  }
0x6a: {  	_ =	shalt  }
0x6b: {  	_ =	shalt  }
0x6c: {  	_ =	shalt  }
0x6d: {  	_ =	shalt  }
0x6e: {  	_ =	shalt  }
0x6f: {  	_ =	shalt  }
0x70: {  	_ =	shalt  }
0x71: {  	_ =	shalt  }
0x72: {  	_ =	shalt  }
0x73: {  	_ =	shalt  }
0x74: {  	_ =	shalt  }
0x75: {  	_ =	shalt  }
0x76: {  	_ =	shalt  }
0x77: {  	_ =	shalt  }
0x78: {  	_ =	shalt  }
0x79: {  	_ =	shalt  }
0x7a: {  	_ =	shalt  }
0x7b: {  	_ =	shalt  }
0x7c: {  	_ =	shalt  }
0x7d: {  	_ =	shalt  }
0x7e: {  	_ =	shalt  }
0x7f: {  	_ =	shalt  }
0x80: {  	_ =	shalt  }
0x81: {  	_ =	shalt  }
0x82: {  	_ =	shalt  }
0x83: {  	_ =	shalt  }
0x84: {  	_ =	shalt  }
0x85: {  	_ =	shalt  }
0x86: {  	_ =	shalt  }
0x87: {  	_ =	shalt  }
.Lfunc_end0:
.L_simem_size_0:
called_computation.1_lowered:
.L_overlay_start_0:
0x88: {  	s2 =	sld [smem:$0x3FD9]  }
0x89: {  	s3 =	sld [smem:$0x3FFE];
	_ =	sdelay $0x1  }
0x8a: {  	s1 =	srdreg.scid  }
0x8b: {  	s0 =	sand.u32 $0x1, s1  }
0x8c: {  	s17 =	sshll.u32 s0, $0xA;
	s2 =	sadd.s32 s3, s2  }
0x8d: {  	s2 =	sadd.s32 s2, s17  }
0x8e: {  	[smem:$0x3FC3] =	sst s2  }
0x8f: {  	_ = 	snop  }
0x90: {  	s18 =	sld [smem:$0x3FC8];
	(tm) =	ssettm $0x1  }
0x91: {  	s19 =	sld [smem:$0x3FFB];
	_ =	sdelay $0x3  }
0x92: {  	_ =	strace s19  }
0x93: {  	s2 =	sld [smem:$0x3FFC];
	_ =	sdelay $0x3  }
0x94: {  	_ =	strace s2  }
0x95: {  	s2 =	sld [smem:$0x3FFD];
	_ =	sdelay $0x3  }
0x96: {  	_ =	strace s2  }
0x97: {  	_ =	strace $0x8FFFFFFF  }
0x98: {  	s20 =	sld [smem:$0x3FDB];
	_ =	sdelay $0x1  }
0x99: {  	s4 =	simm.s32 $_scs_section_size  }
0x9a: {  	s5 =	simm.s32 $_size__tile_overlayer_lowered;
	s6 =	simm.s32 $_tile_overlayer_lowered  }
0x9b: {  	s7 =	simm.s32 $0x1BFF;
	s21 =	sshll.u32 s6, $0x1;
	s4 =	sadd.s32 s4, s20  }
0x9c: {  	s22 =	simm.s32 $0x0;
	s5 =	sshll.u32 s5, $0x1;
	s6 =	sadd.s32 s21, s4  }
0x9d: {  	[timem:s22], [sflag:s7] =	dma.local [hbm:s6], s5  }
0x9e: {  	_ =	swait.ge [sflag:s7], s5  }
0x9f: {  	s5 =	ssub.s32 $0x0, s5;
	[sflag:s7] =	ssyncset.done $0x0  }
0xa0: {  	[sflag:s7] =	ssyncadd.s32 s5;
	_ =	sdelay $0x1  }
0xa1: {  	s23 =	simm.s32 $0x1B8B  }
0xa2: {  	_ =	swait.ge [sflag:s23], $0x1  }
0xa3: {  	[sflag:s23] =	ssyncset.done $0x0  }
0xa4: {  	[sflag:s23] =	ssyncadd.s32 $0xFFFFFFFF  }
0xa5: {  	s5 =	sld [smem:$0x0]  }
0xa6: {  	s6 =	sand.u32 $0xFFFFFFFE, s1  }
0xa7: {  	p0 =	sne.s32 s1, s6  }
0xa8: {  	s6 =	sshll.u32 @p0 s6, $0xE  }
0xa9: {  	s6 =	sadd.s32 @p0 $0x11B8D, s6;
	s7 =	sshll.u32 @p0 s5, $0x11  }
0xaa: {  	s6 =	sor.u32 @p0 s7, s6  }
0xab: {  	[sflag:s6] =	ssyncadd.remote.s32 @p0 $0x1;
	_ =	sdelay $0x1  }
0xac: {  	s6 =	simm.s32 @p0 $0x1B8D  }
0xad: {  	_ =	swait.eq @p0 [sflag:s6], $0x1  }
0xae: {  	[sflag:s6] =	ssyncadd.s32 @p0 $0xFFFFFFFF  }
0xaf: {  	s7 =	sshll.u32 @!p0 s1, $0xE  }
0xb0: {  	s7 =	sor.u32 @!p0 $0x4000, s7;
	s6 =	simm.s32 @!p0 $0x1B8D  }
0xb1: {  	s5 =	sshll.u32 @!p0 s5, $0x11;
	s7 =	sadd.s32 @!p0 $0x11B8D, s7;
	_ =	swait.eq @!p0 [sflag:s6], $0x1  }
0xb2: {  	s5 =	sor.u32 @!p0 s5, s7;
	[sflag:s6] =	ssyncadd.s32 @!p0 $0xFFFFFFFF  }
0xb3: {  	s25 =	simm.s32 $0x1B8E;
	s24 =	sld [smem:$0x3FFE];
	[sflag:s5] =	ssyncadd.remote.s32 @!p0 $0x1  }
0xb4: {  	s26 =	simm.s32 $execute0_lowered;
	[smem:$0x3FD2] =	sst s25  }
0xb5: {  	s6 =	sshll.u32 s26, $0x1;
	_ =	strace $0x80000049;
	[dreg:$0x1] =	wrdreg $0xFFFFFFFF  }
0xb6: {  	s28 =	simm.s32 $_size_execute0_lowered;
	s4 =	sadd.s32 s4, s6;
	[dreg:$0x0] =	wrdreg $0x0  }
0xb7: {  	s6 =	sshll.u32 s28, $0x1;
	[dreg:$0x2] =	wrdreg s4  }
0xb8: {  	[dreg:$0x3] =	wrdreg s6  }
0xb9: {  	[dreg:$0x4] =	wrdreg $0xC0  }
0xba: {  	_ =	task [dreg:s22], $0x5FFFF  }
0xbb: {  	[dreg:$0x1] =	wrdreg $0xFFFFFFFF  }
0xbc: {  	[dreg:$0x0] =	wrdreg $0x60  }
0xbd: {  	[dreg:$0x2] =	wrdreg s24  }
0xbe: {  	[dreg:$0x3] =	wrdreg s18  }
0xbf: {  	[dreg:$0x4] =	wrdreg $0x52000  }
0xc0: {  	[dreg:$0x5] =	wrdreg $0xA  }
0xc1: {  	_ =	task.clear_ibuf [dreg:s22], $0x6FFFF;
	_ =	strace $0x90000049  }
0xc2: {  	s29 =	simm.s32 $0xA;
	_ =	strace $0x8000004B  }
0xc3: {  	_ =	swait.ge [sflag:s29], $0x1  }
0xc4: {  	[sflag:s29] =	ssyncadd.s32 $0xFFFFFFFF  }
0xc5: {  	_ =	strace $0x9000004B  }
0xc6: {  	_ =	sfence  }
0xc7: {  	s30 =	sld [smem:$0x0];
	_ =	sdelay $0x2  }
0xc8: {  	s31 =	sshll.u32 s1, $0xD;
	s1 =	sshrl.u32 s1, $0x2  }
0xc9: {  	s4 =	sand.u32 $0x4000, s31;
	s1 =	sadd.s32 s1, s30  }
0xca: {  	s0 =	sor.u32 s4, s0;
	s1 =	sshll.u32 s1, $0x11  }
0xcb: {  	s0 =	sor.u32 s1, s0  }
0xcc: {  	s0 =	sadd.s32 $0x8F2B, s0  }
0xcd: {  	[sflag:s0] =	ssyncadd.remote.s32 $0x1  }
0xce: {  	_ =	sfence.sel $0xFFFF  }
0xcf: {  	[dreg:$0x0] =	wrdreg $0xFFFFFFFF;
	(pc) =	sbr.abs _section_cstart, $3  }
0xd0: {  	[dreg:$0x1] =	wrdreg $0xFFFFFFFF  }
0xd1: {  	_ =	task.clear_ibuf [dreg:s22], $0x2FFFF;
	_ =	strace $0x9FFFFFFF  }
0xd2: {  	(tm) =	ssettm $0x7FFFFFFF  }
0xd3: {  	_ =	shalt  }
tec
execute0_lowered:
.L_overlay_start_1:
0x0: {  	(tag) =	ssettag $0x1  }
0x1: {  	s0 =	rddreg [dreg:$0x0]  }
0x2: {  	s1 =	rddreg [dreg:$0x1]  }
0x3: {  	s2 =	rddreg [dreg:$0x2];
	s13 =	stileid.u32  }
0x4: {  	s4 =	srdreg.scid;
	s7 =	smul.u32 $0x280, s13  }
0x5: {  	s3 =	simm.s32 $0x0;
	s6 =	sand.u32 $0x1, s4;
	s21 =	smul.u32 $0x50000, s13  }
0x6: {  	[smem:$0x7FF] =	sst s3;
	s4 =	sadd.s32 $0x200, s0;
	s16 =	smul.u32 $0x2710, s13  }
0x7: {  	s5 =	sadd.s32 $0xA000, s0;
	s9 =	sadd.s32 $0x3B800, s0;
	s8 =	smul.u32 $0x2800, s6  }
0x8: {  	_ =	strace $0x8000004A;
	[dreg:$0x4] =	wrdreg s9;
	s22 =	ssub.s32 $0x2, s6  }
0x9: {  	s20 =	sshll.u32 s6, $0x4;
	s10 =	sshrl.u32 s22, $0x1;
	s9 =	sshrl.u32 s21, $0x2  }
0xa: {  	s21 =	smul.u32 $0x27100, s13;
	s7 =	sadd.s32 s7, s8;
	s8 =	sor.u32 s13, s20  }
0xb: {  	s10 =	ssub.s32 s22, s10;
	s7 =	sshll.u32 s7, $0x4;
	s12 =	smul.u32 $0x27100, s8  }
0xc: {  	s13 =	simm.s32 $0x2800;
	s0 =	sadd.s32 s7, s0;
	s7 =	sadd.s32 s9, s2  }
0xd: {  	s11 =	smul.u32 $0x2710, s8;
	s9 =	sadd.s32 $0x2800, s7;
	s25 =	sadd.s32 s1, s12  }
0xe: {  	s17 =	sadd.s32 $0x5000, s7;
	s26 =	sadd.s32 $0x3BE00, s0;
	[dreg:$0x7] =	wrdreg s25  }
0xf: {  	s11 =	sshrl.u32 s11, $0x3;
	s14 =	sadd.s32 $0x3C800, s0;
	[dreg:$0x8] =	wrdreg s26  }
0x10: {  	s12 =	smul.u32 $0x27100, s6;
	s15 =	sadd.s32 $0x3CD00, s0;
	[dreg:$0xa] =	wrdreg s14  }
0x11: {  	s18 =	sadd.s32 $0x3D200, s0;
	s19 =	sadd.s32 $0x3D700, s0;
	[dreg:$0xb] =	wrdreg s15  }
0x12: {  	s6 =	smul.u32 $0x271000, s6;
	s20 =	sadd.s32 $0x3DC00, s0;
	[dreg:$0xc] =	wrdreg s18  }
0x13: {  	s28 =	sadd.s32 $0xA000, s7;
	s29 =	sadd.s32 $0xC800, s7;
	[dreg:$0xd] =	wrdreg s19  }
0x14: {  	s30 =	sadd.s32 $0xF000, s7;
	s23 =	sadd.s32 s4, s11;
	[dreg:$0xe] =	wrdreg s20  }
0x15: {  	s31 =	sadd.s32 $0x11800, s7;
	s24 =	sadd.s32 s5, s11;
	[dreg:$0x5] =	wrdreg s23  }
0x16: {  	s11 =	sadd.s32 $0x3C300, s0;
	s0 =	sadd.s32 $0x3E100, s0;
	[dreg:$0x6] =	wrdreg s24  }
0x17: {  	s18 =	sadd.s32 $0x7800, s7;
	s14 =	simm.s32 $0x50;
	[dreg:$0x9] =	wrdreg s11  }
0x18: {  	s15 =	simm.s32 $0x2;
	s11 =	sadd.s32 s16, s12;
	[dreg:$0xf] =	wrdreg s0  }
0x19: {  	s22 =	sadd.s32 s6, s1;
	s24 =	smax.u32 s10, $0x1;
	s1 =	simm.s32 $0x5000  }
0x1a: {  	s6 =	simm.s32 $0x5100;
	s10 =	simm.s32 $0x1;
	s12 =	simm.s32 $0x5180  }
0x1b: {  	s16 =	simm.s32 $0x0;
	s23 =	sadd.s32 $0x50, s11;
	[dreg:$0x10] =	wrdreg s24  }
0x1c: {  	s22 =	sadd.s32 s21, s22;
	s26 =	sadd.s32 $0xA0, s11;
	s25 =	sshrl.u32 s23, $0x3  }
0x1d: {  	s11 =	simm.s32 $0x5080;
	[dreg:$0x12] =	wrdreg s26;
	s0 =	sadd.s32 s25, s4  }
0x1e: {  	s20 =	sadd.s32 s25, s5;
	[dreg:$0x11] =	wrdreg s0;
	s0 =	simm.s32 $0x3  }
.LBB2_1:
0x1f: {  	s8 =	rddreg [dreg:$0x4]  }
0x20: {  	[tilespmem:s3], [sflag:$0x3] =	stream.linear.gather [hbm4b:s8+s3], $0x2800, $0x38;
	[tilespmem:$0x19200] =	vst v63  }
0x21: {  	_ =	swait.ge [sflag:s0], $0x2800  }
0x22: {  	[sflag:s0] =	ssyncset.done $0x0  }
0x23: {  	[sflag:s0] =	ssyncadd.s32 $0xFFFFD800  }
0x24: {  	[spmem:s7] =	stream.linear.scatter [tilespmem:s3], [sflag:$0x3], $0x2800, $0x38;
	[tilespmem:$0x19200] =	vst v63  }
0x25: {  	_ =	swait.ge [sflag:s0], $0x2800  }
0x26: {  	[sflag:s0] =	ssyncset.done $0x0  }
0x27: {  	[sflag:s0] =	ssyncadd.s32 $0xFFFFD800  }
0x28: {  	[spmem:s9] =	stream.linear.scatter [tilespmem:s3], [sflag:$0x3], $0x2800, $0x38;
	[tilespmem:$0x19200] =	vst v63  }
0x29: {  	_ =	swait.ge [sflag:s0], $0x2800  }
0x2a: {  	[sflag:s0] =	ssyncset.done $0x0  }
0x2b: {  	[sflag:s0] =	ssyncadd.s32 $0xFFFFD800  }
0x2c: {  	[spmem:s17] =	stream.linear.scatter [tilespmem:s3], [sflag:$0x3], $0x2800, $0x38;
	[tilespmem:$0x19200] =	vst v63  }
0x2d: {  	_ =	swait.ge [sflag:s0], $0x2800  }
0x2e: {  	[sflag:s0] =	ssyncset.done $0x0  }
0x2f: {  	[sflag:s0] =	ssyncadd.s32 $0xFFFFD800  }
0x30: {  	[spmem:s18] =	stream.linear.scatter [tilespmem:s3], [sflag:$0x3], $0x2800, $0x38;
	[tilespmem:$0x19200] =	vst v63  }
0x31: {  	_ =	swait.ge [sflag:s0], $0x2800  }
0x32: {  	[sflag:s0] =	ssyncset.done $0x0  }
0x33: {  	[sflag:s0] =	ssyncadd.s32 $0xFFFFD800  }
0x34: {  	[spmem:s28] =	stream.linear.scatter [tilespmem:s3], [sflag:$0x3], $0x2800, $0x38;
	[tilespmem:$0x19200] =	vst v63  }
0x35: {  	_ =	swait.ge [sflag:s0], $0x2800  }
0x36: {  	[sflag:s0] =	ssyncset.done $0x0  }
0x37: {  	[sflag:s0] =	ssyncadd.s32 $0xFFFFD800  }
0x38: {  	[spmem:s29] =	stream.linear.scatter [tilespmem:s3], [sflag:$0x3], $0x2800, $0x38;
	[tilespmem:$0x19200] =	vst v63  }
0x39: {  	_ =	swait.ge [sflag:s0], $0x2800  }
0x3a: {  	[sflag:s0] =	ssyncset.done $0x0  }
0x3b: {  	[sflag:s0] =	ssyncadd.s32 $0xFFFFD800  }
0x3c: {  	[spmem:s30] =	stream.linear.scatter [tilespmem:s3], [sflag:$0x3], $0x2800, $0x38;
	[tilespmem:$0x19200] =	vst v63  }
0x3d: {  	_ =	swait.ge [sflag:s0], $0x2800  }
0x3e: {  	[sflag:s0] =	ssyncset.done $0x0  }
0x3f: {  	[sflag:s0] =	ssyncadd.s32 $0xFFFFD800  }
0x40: {  	[spmem:s31] =	stream.linear.scatter [tilespmem:s3], [sflag:$0x3], $0x2800, $0x38;
	[tilespmem:$0x19200] =	vst v63  }
0x41: {  	_ =	swait.ge [sflag:s0], $0x2800  }
0x42: {  	[sflag:s0] =	ssyncset.done $0x0  }
0x43: {  	[sflag:s0] =	ssyncadd.s32 $0xFFFFD800  }
0x44: {  	[bflag:$0x0] =	sbarrier.arrive $0xFFFF  }
0x45: {  	s21 =	rddreg [dreg:$0x5]  }
0x46: {  	[tilespmem:s1], [sflag:$0x1] =	stream.linear.gather [hbm4b:s21+s3], $0x50, $0x38;
	[tilespmem:$0x19200] =	vst v63  }
0x47: {  	s23 =	rddreg [dreg:$0x6]  }
0x48: {  	[tilespmem:s6], [sflag:$0x1] =	stream.linear.gather [hbm4b:s23+s3], $0x50, $0x38;
	[tilespmem:$0x19200] =	vst v63  }
0x49: {  	s24 =	rddreg [dreg:$0x7]  }
0x4a: {  	[tilespmem:s3], [sflag:$0x1] =	stream.linear.gather [hbm4b:s24+s3], $0x2800, $0x38;
	[tilespmem:$0x19200] =	vst v63  }
0x4b: {  	_ =	swait.ge [sflag:s10], $0x50  }
0x4c: {  	[sflag:s10] =	ssyncset.done $0x0  }
0x4d: {  	[sflag:s10] =	ssyncadd.s32 $0xFFFFFFB0  }
0x4e: {  	_ =	swait.ge [sflag:s10], $0x50  }
0x4f: {  	[sflag:s10] =	ssyncset.done $0x0  }
0x50: {  	[sflag:s10] =	ssyncadd.s32 $0xFFFFFFB0  }
0x51: {  	_ =	swait.ge [sflag:s10], $0x2800  }
0x52: {  	[sflag:s10] =	ssyncset.done $0x0  }
0x53: {  	s8 =	rddreg [dreg:$0x11];
	[sflag:s10] =	ssyncadd.s32 $0xFFFFD800  }
0x54: {  	[tilespmem:s11], [sflag:$0x2] =	stream.linear.gather [hbm4b:s8+s3], $0x50, $0x38;
	[tilespmem:$0x19200] =	vst v63  }
0x55: {  	s26 =	smov.u32 s17;
	s17 =	sadd.s32 $0x0, s22  }
0x56: {  	[tilespmem:s12], [sflag:$0x2] =	stream.linear.gather [hbm4b:s20+s3], $0x50, $0x38;
	[tilespmem:$0x19200] =	vst v63  }
0x57: {  	s25 =	smov.u32 s9;
	s9 =	sadd.s32 $0x500, s17  }
0x58: {  	[tilespmem:s13], [sflag:$0x2] =	stream.linear.gather [hbm4b:s9+s3], $0x2800, $0x38;
	[tilespmem:$0x19200] =	vst v63  }
0x59: {  	_ = 	snop  }
0x5a: {  	[spmem:s2] =	stream.indirect.scatter.add.f32 [tilespmem:s3], [sflag:$0x3], $0x80, s1, s14, $0xb8;
	[tilespmem:$0x19200] =	vst v63  }
0x5b: {  	_ =	swait.ge [sflag:s0], $0x2800  }
0x5c: {  	[sflag:s0] =	ssyncset.done $0x0  }
0x5d: {  	[sflag:s0] =	ssyncadd.s32 $0xFFFFD800  }
0x5e: {  	[spmem:s2] =	stream.indirect.scatter.add.f32 [tilespmem:s3], [sflag:$0x3], $0x80, s6, s14, $0xb8;
	[tilespmem:$0x19200] =	vst v63  }
0x5f: {  	_ =	swait.ge [sflag:s0], $0x2800  }
0x60: {  	[sflag:s0] =	ssyncset.done $0x0  }
0x61: {  	[sflag:s0] =	ssyncadd.s32 $0xFFFFD800  }
0x62: {  	_ =	swait.ge [sflag:s15], $0x50  }
0x63: {  	[sflag:s15] =	ssyncset.done $0x0  }
0x64: {  	[sflag:s15] =	ssyncadd.s32 $0xFFFFFFB0  }
0x65: {  	_ =	swait.ge [sflag:s15], $0x50  }
0x66: {  	[sflag:s15] =	ssyncset.done $0x0  }
0x67: {  	[sflag:s15] =	ssyncadd.s32 $0xFFFFFFB0  }
0x68: {  	_ =	swait.ge [sflag:s15], $0x2800  }
0x69: {  	s21 =	rddreg [dreg:$0x12]  }
0x6a: {  	[sflag:s15] =	ssyncset.done $0x0;
	s24 =	sshrl.u32 s21, $0x3  }
0x6b: {  	[sflag:s15] =	ssyncadd.s32 $0xFFFFD800;
	s23 =	sadd.s32 s4, s24  }
0x6c: {  	[tilespmem:s1], [sflag:$0x1] =	stream.linear.gather [hbm4b:s23+s3], $0x50, $0x38;
	[tilespmem:$0x19200] =	vst v63  }
0x6d: {  	s19 =	smov.u32 s18;
	s18 =	sadd.s32 s5, s24  }
0x6e: {  	[tilespmem:s6], [sflag:$0x1] =	stream.linear.gather [hbm4b:s18+s3], $0x50, $0x38;
	[tilespmem:$0x19200] =	vst v63  }
0x6f: {  	s17 =	sadd.s32 $0xA00, s17  }
0x70: {  	[tilespmem:s3], [sflag:$0x1] =	stream.linear.gather [hbm4b:s17+s3], $0x2800, $0x38;
	[tilespmem:$0x19200] =	vst v63  }
0x71: {  	_ = 	snop  }
0x72: {  	[spmem:s2] =	stream.indirect.scatter.add.f32 [tilespmem:s13], [sflag:$0x3], $0x80, s11, s14, $0xb8;
	[tilespmem:$0x19200] =	vst v63  }
0x73: {  	_ =	swait.ge [sflag:s0], $0x2800  }
0x74: {  	[sflag:s0] =	ssyncset.done $0x0  }
0x75: {  	[sflag:s0] =	ssyncadd.s32 $0xFFFFD800  }
0x76: {  	[spmem:s2] =	stream.indirect.scatter.add.f32 [tilespmem:s13], [sflag:$0x3], $0x80, s12, s14, $0xb8;
	[tilespmem:$0x19200] =	vst v63  }
0x77: {  	s24 =	smov.u32 s20;
	s23 =	smov.u32 s21;
	_ =	swait.ge [sflag:s0], $0x2800  }
0x78: {  	s18 =	sadd.s32 $0x14, s8;
	s17 =	simm.s32 $0xA00;
	[sflag:s0] =	ssyncset.done $0x0  }
.LBB2_2:
0x79: {  	[sflag:s0] =	ssyncadd.s32 $0xFFFFD800  }
0x7a: {  	s23 =	sadd.s32 $0xA0, s23;
	s24 =	sadd.s32 $0x14, s24;
	s21 =	smov.u32 s17  }
0x7b: {  	p0 =	sne.s32 s17, $0x26200;
	s17 =	sadd.s32 $0xA00, s17;
	_ =	swait.ge [sflag:s10], $0x50  }
0x7c: {  	[sflag:s10] =	ssyncset.done $0x0  }
0x7d: {  	[sflag:s10] =	ssyncadd.s32 $0xFFFFFFB0  }
0x7e: {  	_ =	swait.ge [sflag:s10], $0x50  }
0x7f: {  	[sflag:s10] =	ssyncset.done $0x0  }
0x80: {  	[sflag:s10] =	ssyncadd.s32 $0xFFFFFFB0  }
0x81: {  	_ =	swait.ge [sflag:s10], $0x2800  }
0x82: {  	[sflag:s10] =	ssyncset.done $0x0  }
0x83: {  	[sflag:s10] =	ssyncadd.s32 $0xFFFFD800  }
0x84: {  	[tilespmem:s11], [sflag:$0x2] =	stream.linear.gather [hbm4b:s18+s3], $0x50, $0x38;
	[tilespmem:$0x19200] =	vst v63  }
0x85: {  	s21 =	sadd.s32 s21, s22  }
0x86: {  	[tilespmem:s12], [sflag:$0x2] =	stream.linear.gather [hbm4b:s24+s3], $0x50, $0x38;
	[tilespmem:$0x19200] =	vst v63  }
0x87: {  	s8 =	sadd.s32 $0x500, s21  }
0x88: {  	[tilespmem:s13], [sflag:$0x2] =	stream.linear.gather [hbm4b:s8+s3], $0x2800, $0x38;
	[tilespmem:$0x19200] =	vst v63  }
0x89: {  	_ = 	snop  }
0x8a: {  	[spmem:s2] =	stream.indirect.scatter.add.f32 [tilespmem:s3], [sflag:$0x3], $0x80, s1, s14, $0xb8;
	[tilespmem:$0x19200] =	vst v63  }
0x8b: {  	_ =	swait.ge [sflag:s0], $0x2800  }
0x8c: {  	[sflag:s0] =	ssyncset.done $0x0  }
0x8d: {  	[sflag:s0] =	ssyncadd.s32 $0xFFFFD800  }
0x8e: {  	[spmem:s2] =	stream.indirect.scatter.add.f32 [tilespmem:s3], [sflag:$0x3], $0x80, s6, s14, $0xb8;
	[tilespmem:$0x19200] =	vst v63  }
0x8f: {  	_ =	swait.ge [sflag:s0], $0x2800  }
0x90: {  	[sflag:s0] =	ssyncset.done $0x0  }
0x91: {  	[sflag:s0] =	ssyncadd.s32 $0xFFFFD800  }
0x92: {  	_ =	swait.ge [sflag:s15], $0x50  }
0x93: {  	[sflag:s15] =	ssyncset.done $0x0  }
0x94: {  	[sflag:s15] =	ssyncadd.s32 $0xFFFFFFB0  }
0x95: {  	_ =	swait.ge [sflag:s15], $0x50  }
0x96: {  	[sflag:s15] =	ssyncset.done $0x0  }
0x97: {  	[sflag:s15] =	ssyncadd.s32 $0xFFFFFFB0  }
0x98: {  	_ =	swait.ge [sflag:s15], $0x2800  }
0x99: {  	s8 =	sshrl.u32 s23, $0x3;
	[sflag:s15] =	ssyncset.done $0x0  }
0x9a: {  	s9 =	sadd.s32 s4, s8;
	[sflag:s15] =	ssyncadd.s32 $0xFFFFD800  }
0x9b: {  	[tilespmem:s1], [sflag:$0x1] =	stream.linear.gather [hbm4b:s9+s3], $0x50, $0x38;
	[tilespmem:$0x19200] =	vst v63  }
0x9c: {  	s8 =	sadd.s32 s5, s8  }
0x9d: {  	[tilespmem:s6], [sflag:$0x1] =	stream.linear.gather [hbm4b:s8+s3], $0x50, $0x38;
	[tilespmem:$0x19200] =	vst v63  }
0x9e: {  	s8 =	sadd.s32 $0xA00, s21  }
0x9f: {  	[tilespmem:s3], [sflag:$0x1] =	stream.linear.gather [hbm4b:s8+s3], $0x2800, $0x38;
	[tilespmem:$0x19200] =	vst v63  }
0xa0: {  	_ = 	snop  }
0xa1: {  	[spmem:s2] =	stream.indirect.scatter.add.f32 [tilespmem:s13], [sflag:$0x3], $0x80, s11, s14, $0xb8;
	[tilespmem:$0x19200] =	vst v63  }
0xa2: {  	_ =	swait.ge [sflag:s0], $0x2800  }
.Ltmp0:
0xa3: {  	[sflag:s0] =	ssyncset.done $0x0;
	(pc) =	sbr.rel @p0 .LBB2_2-.Ltmp0, $4  }
0xa4: {  	[sflag:s0] =	ssyncadd.s32 $0xFFFFD800  }
0xa5: {  	[spmem:s2] =	stream.indirect.scatter.add.f32 [tilespmem:s13], [sflag:$0x3], $0x80, s12, s14, $0xb8;
	[tilespmem:$0x19200] =	vst v63  }
0xa6: {  	_ =	swait.ge [sflag:s0], $0x2800  }
0xa7: {  	s18 =	sadd.s32 $0x14, s18;
	[sflag:s0] =	ssyncset.done $0x0  }
0xa8: {  	[sflag:s0] =	ssyncadd.s32 $0xFFFFD800  }
0xa9: {  	_ =	swait.ge [sflag:s10], $0x50  }
0xaa: {  	[sflag:s10] =	ssyncset.done $0x0  }
0xab: {  	[sflag:s10] =	ssyncadd.s32 $0xFFFFFFB0  }
0xac: {  	_ =	swait.ge [sflag:s10], $0x50  }
0xad: {  	[sflag:s10] =	ssyncset.done $0x0  }
0xae: {  	[sflag:s10] =	ssyncadd.s32 $0xFFFFFFB0  }
0xaf: {  	_ =	swait.ge [sflag:s10], $0x2800  }
0xb0: {  	[sflag:s10] =	ssyncset.done $0x0  }
0xb1: {  	[sflag:s10] =	ssyncadd.s32 $0xFFFFD800  }
0xb2: {  	[spmem:s2] =	stream.indirect.scatter.add.f32 [tilespmem:s3], [sflag:$0x3], $0x80, s1, s14, $0xb8;
	[tilespmem:$0x19200] =	vst v63  }
0xb3: {  	_ =	swait.ge [sflag:s0], $0x2800  }
0xb4: {  	[sflag:s0] =	ssyncset.done $0x0  }
0xb5: {  	[sflag:s0] =	ssyncadd.s32 $0xFFFFD800  }
0xb6: {  	[spmem:s2] =	stream.indirect.scatter.add.f32 [tilespmem:s3], [sflag:$0x3], $0x80, s6, s14, $0xb8;
	[tilespmem:$0x19200] =	vst v63  }
0xb7: {  	_ =	swait.ge [sflag:s0], $0x2800  }
0xb8: {  	[sflag:s0] =	ssyncset.done $0x0  }
0xb9: {  	[sflag:s0] =	ssyncadd.s32 $0xFFFFD800  }
0xba: {  	[bflag:$0x0] =	sbarrier.arrive $0xFFFF  }
0xbb: {  	[tilespmem:s3], [sflag:$0x3] =	stream.linear.gather [spmem:s7], $0x2800, $0x38;
	[tilespmem:$0x19200] =	vst v63  }
0xbc: {  	_ =	swait.ge [sflag:s0], $0x2800  }
0xbd: {  	[sflag:s0] =	ssyncset.done $0x0  }
0xbe: {  	s8 =	rddreg [dreg:$0x8];
	[sflag:s0] =	ssyncadd.s32 $0xFFFFD800  }
0xbf: {  	[hbm4b:s8+s3] =	stream.linear.scatter [tilespmem:s3], [sflag:$0x3], $0x2800, $0x38;
	[tilespmem:$0x19200] =	vst v63  }
0xc0: {  	_ =	swait.ge [sflag:s0], $0x2800  }
0xc1: {  	[sflag:s0] =	ssyncset.done $0x0  }
0xc2: {  	[sflag:s0] =	ssyncadd.s32 $0xFFFFD800  }
0xc3: {  	[tilespmem:s3], [sflag:$0x3] =	stream.linear.gather [spmem:s25], $0x2800, $0x38;
	[tilespmem:$0x19200] =	vst v63  }
0xc4: {  	_ =	swait.ge [sflag:s0], $0x2800  }
0xc5: {  	[sflag:s0] =	ssyncset.done $0x0  }
0xc6: {  	s17 =	rddreg [dreg:$0x9];
	[sflag:s0] =	ssyncadd.s32 $0xFFFFD800  }
0xc7: {  	[hbm4b:s17+s3] =	stream.linear.scatter [tilespmem:s3], [sflag:$0x3], $0x2800, $0x38;
	[tilespmem:$0x19200] =	vst v63  }
0xc8: {  	_ =	swait.ge [sflag:s0], $0x2800  }
0xc9: {  	[sflag:s0] =	ssyncset.done $0x0  }
0xca: {  	[sflag:s0] =	ssyncadd.s32 $0xFFFFD800  }
0xcb: {  	[tilespmem:s3], [sflag:$0x3] =	stream.linear.gather [spmem:s26], $0x2800, $0x38;
	[tilespmem:$0x19200] =	vst v63  }
0xcc: {  	_ =	swait.ge [sflag:s0], $0x2800  }
0xcd: {  	[sflag:s0] =	ssyncset.done $0x0  }
0xce: {  	s18 =	rddreg [dreg:$0xa];
	[sflag:s0] =	ssyncadd.s32 $0xFFFFD800  }
0xcf: {  	[hbm4b:s18+s3] =	stream.linear.scatter [tilespmem:s3], [sflag:$0x3], $0x2800, $0x38;
	[tilespmem:$0x19200] =	vst v63  }
0xd0: {  	_ =	swait.ge [sflag:s0], $0x2800  }
0xd1: {  	[sflag:s0] =	ssyncset.done $0x0  }
0xd2: {  	[sflag:s0] =	ssyncadd.s32 $0xFFFFD800  }
0xd3: {  	[tilespmem:s3], [sflag:$0x3] =	stream.linear.gather [spmem:s19], $0x2800, $0x38;
	[tilespmem:$0x19200] =	vst v63  }
0xd4: {  	_ =	swait.ge [sflag:s0], $0x2800  }
0xd5: {  	[sflag:s0] =	ssyncset.done $0x0  }
0xd6: {  	s18 =	smov.u32 s19;
	s19 =	rddreg [dreg:$0xb];
	[sflag:s0] =	ssyncadd.s32 $0xFFFFD800  }
0xd7: {  	[hbm4b:s19+s3] =	stream.linear.scatter [tilespmem:s3], [sflag:$0x3], $0x2800, $0x38;
	[tilespmem:$0x19200] =	vst v63  }
0xd8: {  	_ =	swait.ge [sflag:s0], $0x2800  }
0xd9: {  	[sflag:s0] =	ssyncset.done $0x0  }
0xda: {  	[sflag:s0] =	ssyncadd.s32 $0xFFFFD800  }
0xdb: {  	[tilespmem:s3], [sflag:$0x3] =	stream.linear.gather [spmem:s28], $0x2800, $0x38;
	[tilespmem:$0x19200] =	vst v63  }
0xdc: {  	_ =	swait.ge [sflag:s0], $0x2800  }
0xdd: {  	[sflag:s0] =	ssyncset.done $0x0  }
0xde: {  	s21 =	rddreg [dreg:$0xc];
	[sflag:s0] =	ssyncadd.s32 $0xFFFFD800  }
0xdf: {  	[hbm4b:s21+s3] =	stream.linear.scatter [tilespmem:s3], [sflag:$0x3], $0x2800, $0x38;
	[tilespmem:$0x19200] =	vst v63  }
0xe0: {  	_ =	swait.ge [sflag:s0], $0x2800  }
0xe1: {  	[sflag:s0] =	ssyncset.done $0x0  }
0xe2: {  	[sflag:s0] =	ssyncadd.s32 $0xFFFFD800  }
0xe3: {  	[tilespmem:s3], [sflag:$0x3] =	stream.linear.gather [spmem:s29], $0x2800, $0x38;
	[tilespmem:$0x19200] =	vst v63  }
0xe4: {  	_ =	swait.ge [sflag:s0], $0x2800  }
0xe5: {  	[sflag:s0] =	ssyncset.done $0x0  }
0xe6: {  	s23 =	rddreg [dreg:$0xd];
	[sflag:s0] =	ssyncadd.s32 $0xFFFFD800  }
0xe7: {  	[hbm4b:s23+s3] =	stream.linear.scatter [tilespmem:s3], [sflag:$0x3], $0x2800, $0x38;
	[tilespmem:$0x19200] =	vst v63  }
0xe8: {  	_ =	swait.ge [sflag:s0], $0x2800  }
0xe9: {  	[sflag:s0] =	ssyncset.done $0x0  }
0xea: {  	[sflag:s0] =	ssyncadd.s32 $0xFFFFD800  }
0xeb: {  	[tilespmem:s3], [sflag:$0x3] =	stream.linear.gather [spmem:s30], $0x2800, $0x38;
	[tilespmem:$0x19200] =	vst v63  }
0xec: {  	_ =	swait.ge [sflag:s0], $0x2800  }
0xed: {  	[sflag:s0] =	ssyncset.done $0x0  }
0xee: {  	s24 =	rddreg [dreg:$0xe];
	[sflag:s0] =	ssyncadd.s32 $0xFFFFD800  }
0xef: {  	[hbm4b:s24+s3] =	stream.linear.scatter [tilespmem:s3], [sflag:$0x3], $0x2800, $0x38;
	[tilespmem:$0x19200] =	vst v63  }
0xf0: {  	_ =	swait.ge [sflag:s0], $0x2800  }
0xf1: {  	[sflag:s0] =	ssyncset.done $0x0  }
0xf2: {  	[sflag:s0] =	ssyncadd.s32 $0xFFFFD800  }
0xf3: {  	[tilespmem:s3], [sflag:$0x3] =	stream.linear.gather [spmem:s31], $0x2800, $0x38;
	[tilespmem:$0x19200] =	vst v63  }
0xf4: {  	_ =	swait.ge [sflag:s0], $0x2800  }
0xf5: {  	[sflag:s0] =	ssyncset.done $0x0  }
0xf6: {  	s9 =	smov.u32 s25;
	s25 =	rddreg [dreg:$0xf];
	[sflag:s0] =	ssyncadd.s32 $0xFFFFD800  }
0xf7: {  	[hbm4b:s25+s3] =	stream.linear.scatter [tilespmem:s3], [sflag:$0x3], $0x2800, $0x38;
	[tilespmem:$0x19200] =	vst v63  }
0xf8: {  	_ =	swait.ge [sflag:s0], $0x2800  }
0xf9: {  	s16 =	sadd.s32 $0x1, s16;
	s17 =	smov.u32 s26;
	s26 =	rddreg [dreg:$0x10]  }
0xfa: {  	p0 =	sne.s32 s16, s26  }
.Ltmp1:
0xfb: {  	_ = 	snop;
	(pc) =	sbr.rel @p0 .LBB2_1-.Ltmp1, $3  }
0xfc: {  	_ =	sdelay $0x1  }
0xfd: {  	[sflag:s0] =	ssyncset.done $0x0  }
0xfe: {  	[sflag:s0] =	ssyncadd.s32 $0xFFFFD800  }
0xff: {  	_ =	sfence.sel $0x180000  }
0x100: {  	[bflag:$0x0] =	sbarrier.arrive $0xFFFF  }
0x101: {  	_ =	strace $0x9000004A  }
0x102: {  	s0 =	stileid.u32;
	[bflag:$0x2] =	sbarrier.arrive $0xFFFF  }
0x103: {  	p0 =	sne.s32 s0, $0x0;
	s0 =	rddreg [dreg:$0x3]  }
0x104: {  	s0 =	sadd.s32 @!p0 $0x100000, s0  }
0x105: {  	[sflag:s0] =	ssyncadd.tile.s32 @!p0 $0x1;
	_ =	shalt  }
.Lfunc_end2:
_tile_overlayer_lowered:
.L_overlay_start_2:
0x106: {  	(tag) =	ssettag $0x2  }
0x107: {  	s0 =	rddreg [dreg:$0x0];
	s2 =	stileid.u32  }
0x108: {  	s1 =	rddreg [dreg:$0x1];
	p0 =	sne.s32 s2, $0x0  }
0x109: {  	s3 =	rddreg [dreg:$0x2];
	[bflag:$0x3] =	sbarrier.arrive $0xFFFF;
	s2 =	simm.s32 @!p0 $0x1C03  }
0x10a: {  	[timem:s3], [sflag:s2] =	dma.local @!p0 [hbm:s0], s1  }
0x10b: {  	s0 =	simm.s32 @!p0 $0x3  }
0x10c: {  	_ =	swait.ge @!p0 [sflag:s0], s1  }
0x10d: {  	s1 =	ssub.s32 @!p0 $0x0, s1;
	[sflag:s0] =	ssyncset.done @!p0 $0x0  }
0x10e: {  	[sflag:s0] =	ssyncadd.s32 @!p0 s1  }
0x10f: {  	[bflag:$0x3] =	sbarrier.arrive $0xFFFF  }
0x110: {  	_ =	shalt  }

// kernel: scatter_offload_async_start
scs
__scs_entry_jumppad:
0x0: {  	(pc) =	sbr.rel $0x88, $3  }
0x1: {  	(tag) =	ssettag $0x0;
	lr =	simm.s32 $0x1  }
0x2: {  	[smem:$0x3F9C] =	sst lr;
	_ =	strace $0xD0000000  }
0x3: {  	_ = 	snop  }
0x4: {  	_ = 	snop  }
0x5: {  	_ = 	snop  }
0x6: {  	_ = 	snop  }
0x7: {  	_ = 	snop  }
__scs_overlays_trampoline_lowered:
0x8: {  	[smem:$0x3FAB] =	sst s0  }
0x9: {  	[smem:$0x3FAC] =	sst s1  }
0xa: {  	[smem:$0x3FAD] =	sst s2  }
0xb: {  	[smem:$0x3FAE] =	sst s3  }
0xc: {  	[smem:$0x3FAF] =	sst s4  }
0xd: {  	[smem:$0x3FB0] =	sst s5  }
0xe: {  	[smem:$0x3FB1] =	sst s6  }
0xf: {  	[smem:$0x3FB2] =	sst s7  }
0x10: {  	[smem:$0x3FB3] =	sst s8  }
0x11: {  	[smem:$0x3FB4] =	sst s9;
	s0 =	simm.s32 @!p0 $0x0  }
0x12: {  	s1 =	sld [smem:$0x3F9A];
	s0 =	simm.s32 @p0 $0x1  }
0x13: {  	[smem:$0x3FB5] =	sst s0;
	s0 =	simm.s32 @!p1 $0x0  }
0x14: {  	s2 =	sld [smem:$0x3F99];
	s0 =	simm.s32 @p1 $0x1  }
0x15: {  	[smem:$0x3FB6] =	sst s0;
	s0 =	simm.s32 @!p2 $0x0  }
0x16: {  	s3 =	sld [smem:$0x3FDB];
	s0 =	simm.s32 @p2 $0x1  }
0x17: {  	s4 =	simm.s32 $0x1BF5;
	[smem:$0x3FB8] =	sst s0  }
0x18: {  	s0 =	sld [smem:$0x3F9B];
	_ =	swait.ge [sflag:s4], $0x0  }
0x19: {  	s7 =	sld [smem:$0x3F9C]  }
0x1a: {  	s8 =	sadd.s32 $0xFFFFE003, lr  }
0x1b: {  	s9 =	sadd.s32 $0xFFFFFEF7, lr;
	s5 =	simm.s32 $0xFFFFFFFF;
	p2 =	slt.u32 s8, $0xFFFFF086  }
0x1c: {  	p1 =	slt.u32 s9, $0xF7A;
	s5 =	simm.s32 @!p2 $0x0  }
0x1d: {  	s5 =	simm.s32 @p1 $0x1;
	p0 =	seq.s32 s7, s2  }
0x1e: {  	s7 =	smul.u32 @!p0 $0xF7A, s2;
	p2 =	seq.s32 @!p0 s5, $0x0  }
0x1f: {  	s9 =	smul.u32 $0xF7A, s1;
	s8 =	simm.s32 @!p0 $0x1BF5;
	p2 =	por !p2, p0  }
0x20: {  	[sflag:s8] =	ssyncset.s32 @!p0 $0xFFFFF086;
	s6 =	sadd.s32 @!p0 s3, s7;
	s7 =	simm.s32 @!p0 $0x108  }
0x21: {  	s3 =	sadd.s32 s3, s9;
	s6 =	sadd.s32 @!p0 $0x88, s6;
	s7 =	simm.s32 @p2 $0x1082  }
0x22: {  	[simem:s7], [sflag:s8] =	dma.local @!p0 [hbm:s6], $0xF7A  }
0x23: {  	s9 =	sor.u32 $0xD0000000, s2;
	s6 =	simm.s32 $0x108;
	_ =	swait.ge @!p0 [sflag:s8], $0x0  }
0x24: {  	s3 =	sadd.s32 $0x88, s3;
	s6 =	simm.s32 @!p1 $0x1082;
	[sflag:s4] =	ssyncset.s32 $0xFFFFF086  }
0x25: {  	[simem:s6], [sflag:s4] =	dma.local [hbm:s3], $0xF7A  }
0x26: {  	[smem:$0x3F9C] =	sst s1;
	(tag) =	ssettag s2;
	_ =	strace s9  }
0x27: {  	s1 =	sld [smem:$0x3FAC]  }
0x28: {  	s2 =	sld [smem:$0x3FAD]  }
0x29: {  	s4 =	sld [smem:$0x3FAF]  }
0x2a: {  	p0 =	seq.s32 s5, $0x0;
	s5 =	sld [smem:$0x3FB0]  }
0x2b: {  	s6 =	sld [smem:$0x3FB1]  }
0x2c: {  	s7 =	sld [smem:$0x3FB2]  }
0x2d: {  	s3 =	simm.s32 $0x108;
	s8 =	sld [smem:$0x3FB3]  }
0x2e: {  	s3 =	simm.s32 @!p0 $0x1082;
	s9 =	sld [smem:$0x3FB4]  }
0x2f: {  	lr =	sadd.s32 s0, s3;
	s0 =	sld [smem:$0x3FAB]  }
0x30: {  	s3 =	sld [smem:$0x3FAE]  }
0x31: {  	[smem:$0x3FB7] =	sst s10  }
0x32: {  	s10 =	sld [smem:$0x3FB5];
	_ =	sdelay $0x3  }
0x33: {  	p0 =	seq.s32 s10, $0x1;
	s10 =	sld [smem:$0x3FB7];
	_ =	sdelay $0x3  }
0x34: {  	[smem:$0x3FB7] =	sst s10  }
0x35: {  	s10 =	sld [smem:$0x3FB6];
	_ =	sdelay $0x3  }
0x36: {  	p1 =	seq.s32 s10, $0x1;
	s10 =	sld [smem:$0x3FB7];
	_ =	sdelay $0x3  }
0x37: {  	[smem:$0x3FB7] =	sst s10  }
0x38: {  	s10 =	sld [smem:$0x3FB8]  }
0x39: {  	_ = 	snop;
	(pc) =	sbr.ind lr, $3  }
0x3a: {  	_ = 	snop  }
0x3b: {  	_ = 	snop  }
0x3c: {  	p2 =	seq.s32 s10, $0x1;
	s10 =	sld [smem:$0x3FB7]  }
0x3d: {  	_ =	shalt  }
0x3e: {  	_ =	shalt  }
0x3f: {  	_ =	shalt  }
0x40: {  	_ =	shalt  }
0x41: {  	_ =	shalt  }
0x42: {  	_ =	shalt  }
0x43: {  	_ =	shalt  }
0x44: {  	_ =	shalt  }
0x45: {  	_ =	shalt  }
0x46: {  	_ =	shalt  }
0x47: {  	_ =	shalt  }
0x48: {  	_ =	shalt  }
0x49: {  	_ =	shalt  }
0x4a: {  	_ =	shalt  }
0x4b: {  	_ =	shalt  }
0x4c: {  	_ =	shalt  }
0x4d: {  	_ =	shalt  }
0x4e: {  	_ =	shalt  }
0x4f: {  	_ =	shalt  }
0x50: {  	_ =	shalt  }
0x51: {  	_ =	shalt  }
0x52: {  	_ =	shalt  }
0x53: {  	_ =	shalt  }
0x54: {  	_ =	shalt  }
0x55: {  	_ =	shalt  }
0x56: {  	_ =	shalt  }
0x57: {  	_ =	shalt  }
0x58: {  	_ =	shalt  }
0x59: {  	_ =	shalt  }
0x5a: {  	_ =	shalt  }
0x5b: {  	_ =	shalt  }
0x5c: {  	_ =	shalt  }
0x5d: {  	_ =	shalt  }
0x5e: {  	_ =	shalt  }
0x5f: {  	_ =	shalt  }
0x60: {  	_ =	shalt  }
0x61: {  	_ =	shalt  }
0x62: {  	_ =	shalt  }
0x63: {  	_ =	shalt  }
0x64: {  	_ =	shalt  }
0x65: {  	_ =	shalt  }
0x66: {  	_ =	shalt  }
0x67: {  	_ =	shalt  }
0x68: {  	_ =	shalt  }
0x69: {  	_ =	shalt  }
0x6a: {  	_ =	shalt  }
0x6b: {  	_ =	shalt  }
0x6c: {  	_ =	shalt  }
0x6d: {  	_ =	shalt  }
0x6e: {  	_ =	shalt  }
0x6f: {  	_ =	shalt  }
0x70: {  	_ =	shalt  }
0x71: {  	_ =	shalt  }
0x72: {  	_ =	shalt  }
0x73: {  	_ =	shalt  }
0x74: {  	_ =	shalt  }
0x75: {  	_ =	shalt  }
0x76: {  	_ =	shalt  }
0x77: {  	_ =	shalt  }
0x78: {  	_ =	shalt  }
0x79: {  	_ =	shalt  }
0x7a: {  	_ =	shalt  }
0x7b: {  	_ =	shalt  }
0x7c: {  	_ =	shalt  }
0x7d: {  	_ =	shalt  }
0x7e: {  	_ =	shalt  }
0x7f: {  	_ =	shalt  }
0x80: {  	_ =	shalt  }
0x81: {  	_ =	shalt  }
0x82: {  	_ =	shalt  }
0x83: {  	_ =	shalt  }
0x84: {  	_ =	shalt  }
0x85: {  	_ =	shalt  }
0x86: {  	_ =	shalt  }
0x87: {  	_ =	shalt  }
.Lfunc_end0:
.L_simem_size_0:
called_computation_lowered:
.L_overlay_start_0:
0x88: {  	s0 =	sld [smem:$0x3FD9]  }
0x89: {  	s1 =	sld [smem:$0x3FFE];
	_ =	sdelay $0x3  }
0x8a: {  	s0 =	sadd.s32 s1, s0  }
0x8b: {  	[smem:$0x3FC3] =	sst s0  }
0x8c: {  	_ = 	snop  }
0x8d: {  	(tm) =	ssettm $0x1  }
0x8e: {  	s15 =	sld [smem:$0x3FFB];
	_ =	sdelay $0x3  }
0x8f: {  	_ =	strace s15  }
0x90: {  	s0 =	sld [smem:$0x3FFC];
	_ =	sdelay $0x3  }
0x91: {  	_ =	strace s0  }
0x92: {  	s0 =	sld [smem:$0x3FFD];
	_ =	sdelay $0x3  }
0x93: {  	_ =	strace s0  }
0x94: {  	_ =	strace $0x8FFFFFFF  }
0x95: {  	s16 =	sld [smem:$0x3FDB];
	_ =	sdelay $0x1  }
0x96: {  	s17 =	simm.s32 $_scs_section_size  }
0x97: {  	s2 =	simm.s32 $_size__tile_overlayer_lowered;
	s3 =	simm.s32 $_tile_overlayer_lowered  }
0x98: {  	s20 =	simm.s32 $0x1BFF;
	s19 =	sshll.u32 s3, $0x1;
	s0 =	sadd.s32 s17, s16  }
0x99: {  	s4 =	simm.s32 $0x0;
	s18 =	sshll.u32 s2, $0x1;
	s2 =	sadd.s32 s19, s0  }
0x9a: {  	[timem:s4], [sflag:s20] =	dma.local [hbm:s2], s18  }
0x9b: {  	_ =	swait.ge [sflag:s20], s18  }
0x9c: {  	s1 =	ssub.s32 $0x0, s18;
	[sflag:s20] =	ssyncset.done $0x0  }
0x9d: {  	[sflag:s20] =	ssyncadd.s32 s1;
	_ =	sdelay $0x1  }
0x9e: {  	s21 =	simm.s32 $0x1B8B  }
0x9f: {  	_ =	swait.ge [sflag:s21], $0x1  }
0xa0: {  	[sflag:s21] =	ssyncset.done $0x0  }
0xa1: {  	s23 =	simm.s32 $0x1B8E;
	s22 =	sld [smem:$0x3FFE];
	[sflag:s21] =	ssyncadd.s32 $0xFFFFFFFF  }
0xa2: {  	s24 =	simm.s32 $execute0_lowered;
	[smem:$0x3FD2] =	sst s23  }
0xa3: {  	s2 =	sshll.u32 s24, $0x1;
	_ =	strace $0x80000046;
	[dreg:$0x1] =	wrdreg $0xFFFFFFFF  }
0xa4: {  	s25 =	simm.s32 $_size_execute0_lowered;
	s0 =	sadd.s32 s0, s2;
	[dreg:$0x0] =	wrdreg $0x0  }
0xa5: {  	s2 =	sshll.u32 s25, $0x1;
	[dreg:$0x2] =	wrdreg s0  }
0xa6: {  	[dreg:$0x3] =	wrdreg s2  }
0xa7: {  	[dreg:$0x4] =	wrdreg $0xC0  }
0xa8: {  	_ =	task [dreg:s4], $0x5FFFF  }
0xa9: {  	[dreg:$0x1] =	wrdreg $0xFFFFFFFF  }
0xaa: {  	[dreg:$0x0] =	wrdreg $0x60  }
0xab: {  	[dreg:$0x2] =	wrdreg s22  }
0xac: {  	[dreg:$0x3] =	wrdreg $0x9  }
0xad: {  	_ =	task.clear_ibuf [dreg:s4], $0x4FFFF;
	_ =	strace $0x90000046  }
0xae: {  	s26 =	simm.s32 $0x9;
	_ =	strace $0x80000048  }
0xaf: {  	_ =	swait.ge [sflag:s26], $0x1  }
0xb0: {  	[sflag:s26] =	ssyncadd.s32 $0xFFFFFFFF  }
0xb1: {  	_ =	strace $0x90000048  }
0xb2: {  	_ =	sfence  }
0xb3: {  	s28 =	sld [smem:$0x0];
	_ =	sdelay $0x1  }
0xb4: {  	s29 =	srdreg.scid  }
0xb5: {  	s30 =	sshll.u32 s29, $0xD;
	s31 =	sshrl.u32 s29, $0x2  }
0xb6: {  	s1 =	sand.u32 $0x1, s29;
	s2 =	sand.u32 $0x4000, s30;
	s0 =	sadd.s32 s31, s28  }
0xb7: {  	s1 =	sor.u32 s2, s1;
	s0 =	sshll.u32 s0, $0x11  }
0xb8: {  	s0 =	sor.u32 s0, s1  }
0xb9: {  	s0 =	sadd.s32 $0x8F2B, s0  }
0xba: {  	[sflag:s0] =	ssyncadd.remote.s32 $0x1  }
0xbb: {  	_ =	sfence.sel $0xFFFF  }
0xbc: {  	[dreg:$0x0] =	wrdreg $0xFFFFFFFF;
	(pc) =	sbr.abs _section_cstart, $3  }
0xbd: {  	[dreg:$0x1] =	wrdreg $0xFFFFFFFF  }
0xbe: {  	_ =	task.clear_ibuf [dreg:s4], $0x2FFFF;
	_ =	strace $0x9FFFFFFF  }
0xbf: {  	(tm) =	ssettm $0x7FFFFFFF  }
tec
execute0_lowered:
.L_overlay_start_1:
0x0: {  	(tag) =	ssettag $0x1  }
0x1: {  	s5 =	rddreg [dreg:$0x0]  }
0x2: {  	s0 =	rddreg [dreg:$0x1];
	_ =	strace $0x80000047;
	s3 =	stileid.u32  }
0x3: {  	s2 =	simm.s32 $0x3E;
	s1 =	sadd.s32 $0x3B200, s5;
	p0 =	sne.s32 s3, $0x0  }
0x4: {  	[sflag:s2] =	ssyncpa.u1 $0x0;
	s4 =	simm.s32 @!p0 $0x1C3E;
	s6 =	simm.s32 @!p0 $0x0  }
0x5: {  	[spmem:s6], [sflag:s4] =	dma.local @!p0 [hbm:s1], $0x500  }
0x6: {  	s4 =	simm.s32 @!p0 $0x3E  }
0x7: {  	_ =	swait.ge @!p0 [sflag:s4], $0x500  }
0x8: {  	s3 =	smul.u32 $0x9C40, s3;
	[sflag:s4] =	ssyncset.done @!p0 $0x0  }
.Ltmp0:
0x9: {  	s7 =	simm.s32 $0x2;
	[sflag:s4] =	ssyncadd.s32 @!p0 $0xFFFFFB00;
	(pc) =	sbr.rel .LBB2_1-.Ltmp0, $4  }
0xa: {  	s8 =	simm.s32 $0x0;
	s9 =	simm.s32 $0x0;
	[bflag:$0x0] =	sbarrier.arrive $0xFFFF  }
0xb: {  	s6 =	sadd.s32 $0x9C40, s3;
	[sflag:s2] =	ssyncpa.u1 $0x1;
	s2 =	simm.s32 $0x1  }
0xc: {  	s10 =	smov.u32 s3;
	s4 =	sadd.s32 $0x13E00, s5;
	[sflag:s2] =	ssyncpa.u1 $0x0  }
0xd: {  	vm0 =	vmmov $0xffff;
	s5 =	sadd.s32 $0x27800, s5;
	(ifvalue) =	ssetifvalue $0x2800;
	[sflag:s7] =	ssyncpa.u1 $0x0  }
.LBB2_5:
0xe: {  	s9 =	sadd.s32 $0x1, s9  }
0xf: {  	p2 =	sne.s32 s9, $0x6  }
.Ltmp1:
0x10: {  	_ = 	snop;
	(pc) =	sbr.rel @!p2 .LBB2_6-.Ltmp1, $4  }
0x11: {  	_ = 	snop  }
0x12: {  	s11 =	sadd.s32 $0x1F40, s10  }
0x13: {  	s10 =	smov.u32 s3;
	p1 =	slt.s32 s11, s6  }
0x14: {  	s10 =	smov.u32 @p1 s11  }
.LBB2_1:
0x15: {  	p1 =	seq.s32 s9, $0x5  }
0x16: {  	s11 =	sxor.u32 @!p1 $0xFFFFFFFF, s9  }
0x17: {  	s11 =	sand.u32 @!p1 $0x1, s11  }
0x18: {  	s11 =	smul.u32 @!p1 $0x1F40, s11  }
0x19: {  	s12 =	sshrl.u32 @!p1 s10, $0x3  }
0x1a: {  	s15 =	sand.u32 @!p1 $0x7, s10;
	s13 =	sadd.s32 @!p1 s4, s12;
	s14 =	sadd.s32 @!p1 $0x280, s11  }
0x1b: {  	[tilespmem:s14], [sflag:$0x2] =	stream.linear.gather @!p1 [hbm4b:s13+s15], $0x1F40, $0x38;
	[tilespmem:$0x7F80] =	vst v63  }
0x1c: {  	p2 =	seq.s32 @!p1 s9, $0x0;
	s12 =	sadd.s32 @!p1 s5, s12;
	s11 =	sadd.s32 @!p1 $0x4100, s11  }
0x1d: {  	[tilespmem:s11], [sflag:$0x2] =	stream.linear.gather @!p1 [hbm4b:s12+s15], $0x1F40, $0x38;
	[tilespmem:$0x7F80] =	vst v63  }
0x1e: {  	p1 =	por p1, !p2  }
.Ltmp2:
0x1f: {  	_ = 	snop;
	(pc) =	sbr.rel @!p1 .LBB2_5-.Ltmp2, $1  }
0x20: {  	_ =	sdelay $0x3  }
0x21: {  	s11 =	sand.u32 $0x1, s9  }
0x22: {  	_ =	swait.ge [sflag:s7], $0x3E80;
	p1 =	seq.s32 s11, $0x1;
	s11 =	simm.s32 $0x1F40  }
0x23: {  	[sflag:s7] =	ssyncset.done $0x0;
	s11 =	simm.s32 @!p1 $0x0  }
0x24: {  	[sflag:s7] =	ssyncadd.s32 $0xFFFFC180;
	s13 =	sadd.s32 $0x280, s11  }
0x25: {  	v0 =	vld.msk [tilespmem:s13+$0x0 ss:$0x1], $0xffff;
	_ =	sdelay $0x4  }
0x26: {  	v0 =	vmin.u32 v0, $0x2800;
	_ =	sdelay $0x3  }
0x27: {  	s12 =	simm.s32 $0x0;
	s11 =	sadd.s32 $0x4100, s11;
	s13 =	sadd.s32 $0x10, s13  }
0x28: {  	[spmem:s8] =	stream.indirect_vreg.scatter.add.s32 [tilespmem:s11], [sflag:$0x1], $0x1, v0, vm0, $0x4038;
	[tilespmem:$0x7F80] =	vst v63  }
.LBB2_3:
0x29: {  	v0 =	vld.msk [tilespmem:s13+$0x0 ss:$0x1], $0xffff;
	s12 =	sadd.s32 $0x10, s12  }
0x2a: {  	p1 =	slt.u32 s12, $0x1F30;
	_ =	sdelay $0x4  }
0x2b: {  	v0 =	vmin.u32 v0, $0x2800  }
.Ltmp3:
0x2c: {  	(pc) =	sbr.rel @p1 .LBB2_3-.Ltmp3, $3  }
0x2d: {  	_ =	sdelay $0x1  }
0x2e: {  	s13 =	sadd.s32 $0x10, s13;
	s11 =	sadd.s32 $0x10, s11  }
0x2f: {  	[spmem:s8] =	stream.indirect_vreg.scatter.add.s32 [tilespmem:s11], [sflag:$0x1], $0x1, v0, vm0, $0x4038;
	[tilespmem:$0x7F80] =	vst v63  }
.Ltmp4:
0x30: {  	(pc) =	sbr.rel .LBB2_5-.Ltmp4, $4  }
0x31: {  	_ = 	snop  }
0x32: {  	_ =	swait.ge [sflag:s2], $0x1F40  }
0x33: {  	[sflag:s2] =	ssyncset.done $0x0  }
0x34: {  	[sflag:s2] =	ssyncadd.s32 $0xFFFFE0C0  }
.LBB2_6:
0x35: {  	_ =	sfence.sel $0x180000  }
0x36: {  	s2 =	simm.s32 $0x2;
	[bflag:$0x0] =	sbarrier.arrive $0xFFFF  }
0x37: {  	s30 =	simm.s32 $0x1;
	[sflag:s2] =	ssyncpa.u1 $0x1  }
0x38: {  	[sflag:s30] =	ssyncpa.u1 $0x1  }
0x39: {  	_ =	sfence.stream.spmem  }
0x3a: {  	s31 =	simm.s32 $0x3D;
	[bflag:$0x0] =	sbarrier.arrive $0xFFFF  }
0x3b: {  	s2 =	simm.s32 @p0 $0x3D;
	[sflag:s31] =	ssyncpa.u1 $0x0  }
0x3c: {  	[sflag:s2] =	ssyncpa.u1 @p0 $0x1  }
0x3d: {  	[bflag:$0x0] =	sbarrier.arrive @p0 $0xFFFF  }
0x3e: {  	_ =	strace @p0 $0x90000047  }
0x3f: {  	s3 =	simm.s32 @!p0 $0x1C3D;
	s2 =	simm.s32 @!p0 $0x0;
	[bflag:$0x2] =	sbarrier.arrive @p0 $0xFFFF  }
0x40: {  	[hbm:s1], [sflag:s3] =	dma.local @!p0 [spmem:s2], $0x500  }
0x41: {  	s1 =	simm.s32 @!p0 $0x3D  }
0x42: {  	_ =	swait.ge @!p0 [sflag:s1], $0x500  }
0x43: {  	[sflag:s1] =	ssyncset.done @!p0 $0x0  }
0x44: {  	[sflag:s1] =	ssyncadd.s32 @!p0 $0xFFFFFB00  }
0x45: {  	[sflag:s1] =	ssyncpa.u1 @!p0 $0x1  }
0x46: {  	[bflag:$0x0] =	sbarrier.arrive @!p0 $0xFFFF  }
0x47: {  	_ =	strace @!p0 $0x90000047  }
0x48: {  	s0 =	sadd.s32 @!p0 $0x100000, s0;
	[bflag:$0x2] =	sbarrier.arrive @!p0 $0xFFFF  }
0x49: {  	[sflag:s0] =	ssyncadd.tile.s32 @!p0 $0x1;
	_ =	shalt  }
.Lfunc_end2:
_tile_overlayer_lowered:
.L_overlay_start_2:
0x4a: {  	(tag) =	ssettag $0x2  }
0x4b: {  	s0 =	rddreg [dreg:$0x0];
	s2 =	stileid.u32  }
0x4c: {  	s1 =	rddreg [dreg:$0x1];
	p0 =	sne.s32 s2, $0x0  }
0x4d: {  	s3 =	rddreg [dreg:$0x2];
	[bflag:$0x3] =	sbarrier.arrive $0xFFFF;
	s2 =	simm.s32 @!p0 $0x1C01  }
0x4e: {  	[timem:s3], [sflag:s2] =	dma.local @!p0 [hbm:s0], s1  }
0x4f: {  	s0 =	simm.s32 @!p0 $0x1  }
0x50: {  	_ =	swait.ge @!p0 [sflag:s0], s1  }
0x51: {  	s1 =	ssub.s32 @!p0 $0x0, s1;
	[sflag:s0] =	ssyncset.done @!p0 $0x0  }
0x52: {  	[sflag:s0] =	ssyncadd.s32 @!p0 s1  }
0x53: {  	[bflag:$0x3] =	sbarrier.arrive $0xFFFF  }
0x54: {  	_ =	shalt  }

</sc_bundles>
